<compile_context>
chip_gen: v7x
topology: tpu7x:2x2x1
jax: 0.10.2.dev20260603
libtpu: 0.0.44.dev20260713+nightly
codegen_flags: <defaults>
</compile_context>

<pallas_src>
import functools

import jax
import jax.numpy as jnp
from jax import lax
from jax.experimental import pallas as pl
from jax.experimental.pallas import tpu as pltpu
from jax.experimental.pallas import tpu_sc as plsc

WINDOW = 128


def _make_sc_scatter(N, E, D):
    info = plsc.get_sparse_core_info()
    NC, NS = info.num_cores, info.num_subcores
    NW = NC * NS
    assert E % WINDOW == 0
    nwin = E // WINDOW
    wq, wr = divmod(nwin, NW)
    nwt_u = wq + (1 if wr else 0)
    nwin_t = (nwt_u + 3) & ~3
    e_pad = (wq * (NW - 1) + wr + nwin_t + 4 - nwin) * WINDOW
    nquads = nwin_t // 4

    rows_per = (N // NS) & ~7
    tail_off = NS * rows_per
    tail = N - tail_off

    mesh = plsc.VectorSubcoreMesh(core_axis_name="c", subcore_axis_name="s")

    @functools.partial(
        pl.kernel,
        out_type=jax.ShapeDtypeStruct((NC, N, D), jnp.float32),
        mesh=mesh,
        scratch_types=[
            pltpu.VMEM((4, 2, WINDOW), jnp.int32),
            [pltpu.VMEM((WINDOW,), jnp.int32)] * 2,
            pltpu.VMEM((WINDOW,), jnp.int32),
            [pltpu.VMEM((WINDOW, D), jnp.float32)] * 2,
            pltpu.VMEM_SHARED((N + 8, D), jnp.float32),
            [pltpu.SemaphoreType.DMA] * 2,
            [pltpu.SemaphoreType.DMA] * 4,
        ],
    )
    def sc_scatter(edge_hbm, x_hbm, out_hbm,
                   idx_v, sidx, didx_v, rows, acc_sh, gsem, isem):
        c = lax.axis_index("c")
        s = lax.axis_index("s")
        wid = s * NC + c
        w0 = wq * wid + jnp.minimum(wid, wr)
        nwt = wq + jnp.where(wid < wr, 1, 0)

        def load_idx(w, q):
            off = pl.multiple_of((w0 + w) * WINDOW, WINDOW)
            pltpu.async_copy(edge_hbm.at[:, pl.ds(off, WINDOW)],
                             idx_v.at[q], isem[q])

        def wait_idx(q):
            pltpu.make_async_copy(edge_hbm.at[:, pl.ds(0, WINDOW)],
                                  idx_v.at[q], isem[q]).wait()

        def copy_src(q, p):
            for k in range(WINDOW // 16):
                sidx[p][pl.ds(16 * k, 16)] = idx_v[q, 0, pl.ds(16 * k, 16)]

        def copy_dst(q, real):
            garbage = jnp.full((16,), N, dtype=jnp.int32)
            for k in range(WINDOW // 16):
                v = idx_v[q, 1, pl.ds(16 * k, 16)]
                didx_v[pl.ds(16 * k, 16)] = jnp.where(real, v, garbage)

        def start_gather(q, p):
            copy_src(q, p)
            pltpu.async_copy(x_hbm.at[sidx[p]], rows[p], gsem[p])

        def wait_gather(p):
            pltpu.make_async_copy(x_hbm.at[sidx[p]], rows[p], gsem[p]).wait()

        zbuf = rows[0]

        def zrow(i, _):
            for k in range(D // 16):
                zbuf[i, pl.ds(16 * k, 16)] = jnp.zeros((16,), jnp.float32)
            return 0

        lax.fori_loop(0, WINDOW, zrow, 0)
        nfull, rem = divmod(rows_per, WINDOW)
        for t in range(nfull):
            pltpu.sync_copy(zbuf, acc_sh.at[pl.ds(s * rows_per + t * WINDOW,
                                                  WINDOW)])
        if rem:
            pltpu.sync_copy(zbuf.at[pl.ds(0, rem)],
                            acc_sh.at[pl.ds(s * rows_per + nfull * WINDOW,
                                            rem)])
        if tail:
            @pl.when(s == NS - 1)
            def _():
                pltpu.sync_copy(zbuf.at[pl.ds(0, tail)],
                                acc_sh.at[pl.ds(tail_off, tail)])
        plsc.subcore_barrier()

        for q in range(4):
            load_idx(q, q)
        wait_idx(0)
        start_gather(0, 0)
        wait_idx(1)
        start_gather(1, 1)

        def body(m, _):
            i0 = 4 * m
            for j in range(4):
                p = j % 2
                i = i0 + j
                wait_gather(p)
                copy_dst(j, i < nwt)
                pltpu.sync_copy(rows[p], acc_sh.at[didx_v], add=True)
                load_idx(i + 4, j)
                wait_idx((j + 2) % 4)
                start_gather((j + 2) % 4, p)
            return 0

        lax.fori_loop(0, nquads, body, 0)
        wait_gather(0)
        wait_gather(1)
        wait_idx(2)
        wait_idx(3)
        plsc.subcore_barrier()

        pltpu.sync_copy(acc_sh.at[pl.ds(s * rows_per, rows_per)],
                        out_hbm.at[c, pl.ds(s * rows_per, rows_per)])
        if tail:
            @pl.when(s == NS - 1)
            def _():
                pltpu.sync_copy(acc_sh.at[pl.ds(tail_off, tail)],
                                out_hbm.at[c, pl.ds(tail_off, tail)])

    def wrapper(edge_index, x):
        edge_pad = jnp.pad(edge_index, ((0, 0), (0, e_pad)))
        return sc_scatter(edge_pad, x)

    return wrapper


def _tc_dense(p_ref, w_ref, b_ref, g_ref, bt_ref, o_ref):
    h = p_ref[0] + p_ref[1]
    h = lax.dot_general(h, w_ref[...], (((1,), (1,)), ((), ())),
                        preferred_element_type=jnp.float32)
    h = jnp.maximum(h + b_ref[...], 0.0)
    mean = jnp.mean(h, axis=0, keepdims=True)
    d = h - mean
    var = jnp.mean(d * d, axis=0, keepdims=True)
    o_ref[...] = d * lax.rsqrt(var + 1e-5) * g_ref[...] + bt_ref[...]


def kernel(x, edge_index, W, b, gamma, beta):
    N, D = x.shape
    E = edge_index.shape[1]

    partials = _make_sc_scatter(N, E, D)(edge_index, x)

    return pl.pallas_call(
        _tc_dense,
        out_shape=jax.ShapeDtypeStruct((N, D), jnp.float32),
    )(partials, W, b.reshape(1, D), gamma.reshape(1, D), beta.reshape(1, D))

# --- scband reference (transcript-rebuilt; emitter-appended) ---
"""Pipeline reference for scband-encoder-layer-29059748725632 (READ-ONLY COPY).

The authoritative reference and input builder live on the scoring server;
editing this copy changes nothing except your own understanding.
"""

import jax, jax.numpy as jnp
import numpy as np

N = 10000
E = 320000
D = 128


def setup_inputs(seed: int = 0) -> dict:
    key = jax.random.key(seed)
    k1, k2, k3, k4 = jax.random.split(key, 4)
    x = jax.random.normal(k1, (N, D), dtype=jnp.float32)
    edge_index = jax.random.randint(k2, (2, E), 0, N, dtype=jnp.int32)
    # Linear layer params (out_feats=128, in_feats=128)
    W = jax.random.normal(k3, (D, D), dtype=jnp.float32) * 0.05
    b = jnp.zeros((D,), dtype=jnp.float32)
    # BatchNorm1d affine params
    gamma = jnp.ones((D,), dtype=jnp.float32)
    beta = jnp.zeros((D,), dtype=jnp.float32)
    return {"x": x, "edge_index": edge_index, "W": W, "b": b, "gamma": gamma, "beta": beta}


def reference(x, edge_index, W, b, gamma, beta):
    # DGL g.send_and_recv(g.edges()) with copy_u('h') message + sum reduce:
    # h_dst = sum over incoming edges of h_src  (gather + scatter-add)
    src = edge_index[0]
    dst = edge_index[1]
    msg = jnp.take(x, src, axis=0)                      # gather [E, D]
    h = jax.ops.segment_sum(msg, dst, num_segments=N)   # scatter-add [N, D]
    # Linear
    h = h @ W.T + b
    # Activation (relu)
    h = jax.nn.relu(h)
    # BatchNorm1d (training-mode batch statistics, eps=1e-5)
    mean = jnp.mean(h, axis=0)
    var = jnp.var(h, axis=0)
    h = (h - mean) * jax.lax.rsqrt(var + 1e-5) * gamma + beta
    # Dropout p=0.0 -> identity
    return h

if __name__ == "__main__":
    import jax
    _d = setup_inputs()
    print(jax.jit(kernel)(*tuple(_d.values())))

</pallas_src>

<mosaic_0001>
#map = affine_map<(d0, d1) -> (0, 0)>
#map1 = affine_map<(d0, d1) -> (0, 0, 0)>
module attributes {stable_mosaic.version = 14 : i64} {
  func.func @sc_scatter(%arg0: i32, %arg1: i32, %arg2: memref<2x320768xi32, #tpu.memory_space<hbm>>, %arg3: memref<10000x128xf32, #tpu.memory_space<hbm>>, %arg4: memref<2x10000x128xf32, #tpu.memory_space<hbm>>, %arg5: memref<4x2x128xi32, #tpu.memory_space<vmem>>, %arg6: memref<128xi32, #tpu.memory_space<vmem>>, %arg7: memref<128xi32, #tpu.memory_space<vmem>>, %arg8: memref<128xi32, #tpu.memory_space<vmem>>, %arg9: memref<128x128xf32, #tpu.memory_space<vmem>>, %arg10: memref<128x128xf32, #tpu.memory_space<vmem>>, %arg11: memref<10008x128xf32, #tpu.memory_space<vmem_shared>>, %arg12: memref<!tpu.dma_semaphore, #tpu.memory_space<semaphore_mem>>, %arg13: memref<!tpu.dma_semaphore, #tpu.memory_space<semaphore_mem>>, %arg14: memref<!tpu.dma_semaphore, #tpu.memory_space<semaphore_mem>>, %arg15: memref<!tpu.dma_semaphore, #tpu.memory_space<semaphore_mem>>, %arg16: memref<!tpu.dma_semaphore, #tpu.memory_space<semaphore_mem>>, %arg17: memref<!tpu.dma_semaphore, #tpu.memory_space<semaphore_mem>>) attributes {dimension_semantics = [#tpu.dimension_semantics<core_parallel>, #tpu.dimension_semantics<subcore_parallel>], iteration_bounds = array<i64: 2, 16>, scalar_prefetch = 0 : i64, scratch_operands = 13 : i64, tpu.core_type = #tpu.core_type<sc_vector_subcore>, window_params = [{transform_indices = #map}, {transform_indices = #map}, {transform_indices = #map1}]} {
    %mul3A = arith.constant 2 : i32
    %mul3A_0 = arith.muli %arg1, %mul3A : i32
    %add3A = arith.addi %mul3A_0, %arg0 : i32
    %mul3A_1 = arith.constant 78 : i32
    %mul3A_2 = arith.muli %mul3A_1, %add3A : i32
    %min3A = arith.constant 4 : i32
    %min3A_3 = arith.minsi %add3A, %min3A : i32
    %add3A_4 = arith.addi %mul3A_2, %min3A_3 : i32
    %lt3A = arith.constant 4 : i32
    %lt3A_5 = arith.cmpi slt, %add3A, %lt3A : i32
    %jit3A = arith.constant 1 : i32
    %jit3A_6 = arith.constant 0 : i32
    %select_n3A = arith.select %lt3A_5, %jit3A, %jit3A_6 : i32
    %add3A_7 = arith.constant 78 : i32
    %add3A_8 = arith.addi %add3A_7, %select_n3A : i32
    %scan3A = arith.constant 0 : i32
    %scan3A_9 = arith.constant 0 : i32
    %scan3A_10 = arith.constant 128 : i32
    %scan3A_11 = arith.addi %scan3A_9, %scan3A_10 : i32
    %scan3A_12 = arith.constant 1 : i32
    %scan3A_13 = scf.for %scan3A_369 = %scan3A_9 to %scan3A_11 step %scan3A_12 iter_args(%scan3A_370 = %scan3A) -> (i32)  : i32 {
      %broadcast_in_dim3A = arith.constant 0.000000e+00 : f32
      %broadcast_in_dim3A_371 = vector.broadcast %broadcast_in_dim3A : f32 to vector<16xf32>
      %swap3A_372 = arith.index_cast %scan3A_369 : i32 to index
      %swap3A_373 = arith.constant 0 : index
      %swap3A_374 = tpu.vector_load %arg9[%swap3A_372, %swap3A_373] {strides = array<i32>} : memref<128x128xf32, #tpu.memory_space<vmem>>, vector<1x16xf32>,
      %swap3A_375 = vector.shape_cast %swap3A_374 : vector<1x16xf32> to vector<16xf32>
      %swap3A_376 = vector.shape_cast %broadcast_in_dim3A_371 : vector<16xf32> to vector<1x16xf32>
      tpu.vector_store %arg9[%swap3A_372, %swap3A_373], %swap3A_376 {strides = array<i32>} : memref<128x128xf32, #tpu.memory_space<vmem>>, vector<1x16xf32>,
      %broadcast_in_dim3A_377 = arith.constant 0.000000e+00 : f32
      %broadcast_in_dim3A_378 = vector.broadcast %broadcast_in_dim3A_377 : f32 to vector<16xf32>
      %swap3A_379 = arith.index_cast %scan3A_369 : i32 to index
      %swap3A_380 = arith.constant 16 : index
      %swap3A_381 = tpu.vector_load %arg9[%swap3A_379, %swap3A_380] {strides = array<i32>} : memref<128x128xf32, #tpu.memory_space<vmem>>, vector<1x16xf32>,
      %swap3A_382 = vector.shape_cast %swap3A_381 : vector<1x16xf32> to vector<16xf32>
      %swap3A_383 = vector.shape_cast %broadcast_in_dim3A_378 : vector<16xf32> to vector<1x16xf32>
      tpu.vector_store %arg9[%swap3A_379, %swap3A_380], %swap3A_383 {strides = array<i32>} : memref<128x128xf32, #tpu.memory_space<vmem>>, vector<1x16xf32>,
      %broadcast_in_dim3A_384 = arith.constant 0.000000e+00 : f32
      %broadcast_in_dim3A_385 = vector.broadcast %broadcast_in_dim3A_384 : f32 to vector<16xf32>
      %swap3A_386 = arith.index_cast %scan3A_369 : i32 to index
      %swap3A_387 = arith.constant 32 : index
      %swap3A_388 = tpu.vector_load %arg9[%swap3A_386, %swap3A_387] {strides = array<i32>} : memref<128x128xf32, #tpu.memory_space<vmem>>, vector<1x16xf32>,
      %swap3A_389 = vector.shape_cast %swap3A_388 : vector<1x16xf32> to vector<16xf32>
      %swap3A_390 = vector.shape_cast %broadcast_in_dim3A_385 : vector<16xf32> to vector<1x16xf32>
      tpu.vector_store %arg9[%swap3A_386, %swap3A_387], %swap3A_390 {strides = array<i32>} : memref<128x128xf32, #tpu.memory_space<vmem>>, vector<1x16xf32>,
      %broadcast_in_dim3A_391 = arith.constant 0.000000e+00 : f32
      %broadcast_in_dim3A_392 = vector.broadcast %broadcast_in_dim3A_391 : f32 to vector<16xf32>
      %swap3A_393 = arith.index_cast %scan3A_369 : i32 to index
      %swap3A_394 = arith.constant 48 : index
      %swap3A_395 = tpu.vector_load %arg9[%swap3A_393, %swap3A_394] {strides = array<i32>} : memref<128x128xf32, #tpu.memory_space<vmem>>, vector<1x16xf32>,
      %swap3A_396 = vector.shape_cast %swap3A_395 : vector<1x16xf32> to vector<16xf32>
      %swap3A_397 = vector.shape_cast %broadcast_in_dim3A_392 : vector<16xf32> to vector<1x16xf32>
      tpu.vector_store %arg9[%swap3A_393, %swap3A_394], %swap3A_397 {strides = array<i32>} : memref<128x128xf32, #tpu.memory_space<vmem>>, vector<1x16xf32>,
      %broadcast_in_dim3A_398 = arith.constant 0.000000e+00 : f32
      %broadcast_in_dim3A_399 = vector.broadcast %broadcast_in_dim3A_398 : f32 to vector<16xf32>
      %swap3A_400 = arith.index_cast %scan3A_369 : i32 to index
      %swap3A_401 = arith.constant 64 : index
      %swap3A_402 = tpu.vector_load %arg9[%swap3A_400, %swap3A_401] {strides = array<i32>} : memref<128x128xf32, #tpu.memory_space<vmem>>, vector<1x16xf32>,
      %swap3A_403 = vector.shape_cast %swap3A_402 : vector<1x16xf32> to vector<16xf32>
      %swap3A_404 = vector.shape_cast %broadcast_in_dim3A_399 : vector<16xf32> to vector<1x16xf32>
      tpu.vector_store %arg9[%swap3A_400, %swap3A_401], %swap3A_404 {strides = array<i32>} : memref<128x128xf32, #tpu.memory_space<vmem>>, vector<1x16xf32>,
      %broadcast_in_dim3A_405 = arith.constant 0.000000e+00 : f32
      %broadcast_in_dim3A_406 = vector.broadcast %broadcast_in_dim3A_405 : f32 to vector<16xf32>
      %swap3A_407 = arith.index_cast %scan3A_369 : i32 to index
      %swap3A_408 = arith.constant 80 : index
      %swap3A_409 = tpu.vector_load %arg9[%swap3A_407, %swap3A_408] {strides = array<i32>} : memref<128x128xf32, #tpu.memory_space<vmem>>, vector<1x16xf32>,
      %swap3A_410 = vector.shape_cast %swap3A_409 : vector<1x16xf32> to vector<16xf32>
      %swap3A_411 = vector.shape_cast %broadcast_in_dim3A_406 : vector<16xf32> to vector<1x16xf32>
      tpu.vector_store %arg9[%swap3A_407, %swap3A_408], %swap3A_411 {strides = array<i32>} : memref<128x128xf32, #tpu.memory_space<vmem>>, vector<1x16xf32>,
      %broadcast_in_dim3A_412 = arith.constant 0.000000e+00 : f32
      %broadcast_in_dim3A_413 = vector.broadcast %broadcast_in_dim3A_412 : f32 to vector<16xf32>
      %swap3A_414 = arith.index_cast %scan3A_369 : i32 to index
      %swap3A_415 = arith.constant 96 : index
      %swap3A_416 = tpu.vector_load %arg9[%swap3A_414, %swap3A_415] {strides = array<i32>} : memref<128x128xf32, #tpu.memory_space<vmem>>, vector<1x16xf32>,
      %swap3A_417 = vector.shape_cast %swap3A_416 : vector<1x16xf32> to vector<16xf32>
      %swap3A_418 = vector.shape_cast %broadcast_in_dim3A_413 : vector<16xf32> to vector<1x16xf32>
      tpu.vector_store %arg9[%swap3A_414, %swap3A_415], %swap3A_418 {strides = array<i32>} : memref<128x128xf32, #tpu.memory_space<vmem>>, vector<1x16xf32>,
      %broadcast_in_dim3A_419 = arith.constant 0.000000e+00 : f32
      %broadcast_in_dim3A_420 = vector.broadcast %broadcast_in_dim3A_419 : f32 to vector<16xf32>
      %swap3A_421 = arith.index_cast %scan3A_369 : i32 to index
      %swap3A_422 = arith.constant 112 : index
      %swap3A_423 = tpu.vector_load %arg9[%swap3A_421, %swap3A_422] {strides = array<i32>} : memref<128x128xf32, #tpu.memory_space<vmem>>, vector<1x16xf32>,
      %swap3A_424 = vector.shape_cast %swap3A_423 : vector<1x16xf32> to vector<16xf32>
      %swap3A_425 = vector.shape_cast %broadcast_in_dim3A_420 : vector<16xf32> to vector<1x16xf32>
      tpu.vector_store %arg9[%swap3A_421, %swap3A_422], %swap3A_425 {strides = array<i32>} : memref<128x128xf32, #tpu.memory_space<vmem>>, vector<1x16xf32>,
      %scan3A_426 = arith.constant 0 : i32
      scf.yield %scan3A_426 : i32
    }
    %scan3A_14 = arith.constant 128 : i32
    %mul3A_15 = arith.constant 624 : i32
    %mul3A_16 = arith.muli %arg1, %mul3A_15 : i32
    %add3A_17 = arith.constant 0 : i32
    %add3A_18 = arith.addi %mul3A_16, %add3A_17 : i32
    "tpu.region"() ({
      %run_scoped3A = tpu.sem_alloc : memref<!tpu.dma_semaphore, #tpu.memory_space<semaphore_mem>>
      %dma_start3A_369 = arith.constant 0 : i32
      %dma_start3A_370 = tpu.memref_slice %arg11[%add3A_18, %dma_start3A_369] : memref<10008x128xf32, #tpu.memory_space<vmem_shared>> -> memref<128x128xf32, #tpu.memory_space<vmem_shared>>
      %dma_start3A_371 = arith.constant 0 : i32
      %dma_start3A_372 = tpu.memref_slice %arg11[%add3A_18, %dma_start3A_371] : memref<10008x128xf32, #tpu.memory_space<vmem_shared>> -> memref<128x128xf32, #tpu.memory_space<vmem_shared>>
      tpu.enqueue_dma source(%arg9 : memref<128x128xf32, #tpu.memory_space<vmem>>) target(%dma_start3A_372 : memref<128x128xf32, #tpu.memory_space<vmem_shared>>) target_semaphore(%run_scoped3A : memref<!tpu.dma_semaphore, #tpu.memory_space<semaphore_mem>>)
      %dma_wait3A_373 = arith.constant 0 : i32
      %dma_wait3A_374 = tpu.memref_slice %arg11[%add3A_18, %dma_wait3A_373] : memref<10008x128xf32, #tpu.memory_space<vmem_shared>> -> memref<128x128xf32, #tpu.memory_space<vmem_shared>>
      %dma_wait3A_375 = arith.constant 0 : i32
      %dma_wait3A_376 = tpu.memref_slice %arg11[%add3A_18, %dma_wait3A_375] : memref<10008x128xf32, #tpu.memory_space<vmem_shared>> -> memref<128x128xf32, #tpu.memory_space<vmem_shared>>
      tpu.wait_dma2 semaphore(%run_scoped3A : memref<!tpu.dma_semaphore, #tpu.memory_space<semaphore_mem>>) src(%arg9 : memref<128x128xf32, #tpu.memory_space<vmem>>) dst(%dma_wait3A_376 : memref<128x128xf32, #tpu.memory_space<vmem_shared>>)
      tpu.yield
    }) : () -> ()
    %mul3A_19 = arith.constant 624 : i32
    %mul3A_20 = arith.muli %arg1, %mul3A_19 : i32
    %add3A_21 = arith.constant 128 : i32
    %add3A_22 = arith.addi %mul3A_20, %add3A_21 : i32
    "tpu.region"() ({
      %run_scoped3A = tpu.sem_alloc : memref<!tpu.dma_semaphore, #tpu.memory_space<semaphore_mem>>
      %dma_start3A_369 = arith.constant 0 : i32
      %dma_start3A_370 = tpu.memref_slice %arg11[%add3A_22, %dma_start3A_369] : memref<10008x128xf32, #tpu.memory_space<vmem_shared>> -> memref<128x128xf32, #tpu.memory_space<vmem_shared>>
      %dma_start3A_371 = arith.constant 0 : i32
      %dma_start3A_372 = tpu.memref_slice %arg11[%add3A_22, %dma_start3A_371] : memref<10008x128xf32, #tpu.memory_space<vmem_shared>> -> memref<128x128xf32, #tpu.memory_space<vmem_shared>>
      tpu.enqueue_dma source(%arg9 : memref<128x128xf32, #tpu.memory_space<vmem>>) target(%dma_start3A_372 : memref<128x128xf32, #tpu.memory_space<vmem_shared>>) target_semaphore(%run_scoped3A : memref<!tpu.dma_semaphore, #tpu.memory_space<semaphore_mem>>)
      %dma_wait3A_373 = arith.constant 0 : i32
      %dma_wait3A_374 = tpu.memref_slice %arg11[%add3A_22, %dma_wait3A_373] : memref<10008x128xf32, #tpu.memory_space<vmem_shared>> -> memref<128x128xf32, #tpu.memory_space<vmem_shared>>
      %dma_wait3A_375 = arith.constant 0 : i32
      %dma_wait3A_376 = tpu.memref_slice %arg11[%add3A_22, %dma_wait3A_375] : memref<10008x128xf32, #tpu.memory_space<vmem_shared>> -> memref<128x128xf32, #tpu.memory_space<vmem_shared>>
      tpu.wait_dma2 semaphore(%run_scoped3A : memref<!tpu.dma_semaphore, #tpu.memory_space<semaphore_mem>>) src(%arg9 : memref<128x128xf32, #tpu.memory_space<vmem>>) dst(%dma_wait3A_376 : memref<128x128xf32, #tpu.memory_space<vmem_shared>>)
      tpu.yield
    }) : () -> ()
    %mul3A_23 = arith.constant 624 : i32
    %mul3A_24 = arith.muli %arg1, %mul3A_23 : i32
    %add3A_25 = arith.constant 256 : i32
    %add3A_26 = arith.addi %mul3A_24, %add3A_25 : i32
    "tpu.region"() ({
      %run_scoped3A = tpu.sem_alloc : memref<!tpu.dma_semaphore, #tpu.memory_space<semaphore_mem>>
      %dma_start3A_369 = arith.constant 0 : i32
      %dma_start3A_370 = tpu.memref_slice %arg11[%add3A_26, %dma_start3A_369] : memref<10008x128xf32, #tpu.memory_space<vmem_shared>> -> memref<128x128xf32, #tpu.memory_space<vmem_shared>>
      %dma_start3A_371 = arith.constant 0 : i32
      %dma_start3A_372 = tpu.memref_slice %arg11[%add3A_26, %dma_start3A_371] : memref<10008x128xf32, #tpu.memory_space<vmem_shared>> -> memref<128x128xf32, #tpu.memory_space<vmem_shared>>
      tpu.enqueue_dma source(%arg9 : memref<128x128xf32, #tpu.memory_space<vmem>>) target(%dma_start3A_372 : memref<128x128xf32, #tpu.memory_space<vmem_shared>>) target_semaphore(%run_scoped3A : memref<!tpu.dma_semaphore, #tpu.memory_space<semaphore_mem>>)
      %dma_wait3A_373 = arith.constant 0 : i32
      %dma_wait3A_374 = tpu.memref_slice %arg11[%add3A_26, %dma_wait3A_373] : memref<10008x128xf32, #tpu.memory_space<vmem_shared>> -> memref<128x128xf32, #tpu.memory_space<vmem_shared>>
      %dma_wait3A_375 = arith.constant 0 : i32
      %dma_wait3A_376 = tpu.memref_slice %arg11[%add3A_26, %dma_wait3A_375] : memref<10008x128xf32, #tpu.memory_space<vmem_shared>> -> memref<128x128xf32, #tpu.memory_space<vmem_shared>>
      tpu.wait_dma2 semaphore(%run_scoped3A : memref<!tpu.dma_semaphore, #tpu.memory_space<semaphore_mem>>) src(%arg9 : memref<128x128xf32, #tpu.memory_space<vmem>>) dst(%dma_wait3A_376 : memref<128x128xf32, #tpu.memory_space<vmem_shared>>)
      tpu.yield
    }) : () -> ()
    %mul3A_27 = arith.constant 624 : i32
    %mul3A_28 = arith.muli %arg1, %mul3A_27 : i32
    %add3A_29 = arith.constant 384 : i32
    %add3A_30 = arith.addi %mul3A_28, %add3A_29 : i32
    "tpu.region"() ({
      %run_scoped3A = tpu.sem_alloc : memref<!tpu.dma_semaphore, #tpu.memory_space<semaphore_mem>>
      %dma_start3A_369 = arith.constant 0 : i32
      %dma_start3A_370 = tpu.memref_slice %arg11[%add3A_30, %dma_start3A_369] : memref<10008x128xf32, #tpu.memory_space<vmem_shared>> -> memref<128x128xf32, #tpu.memory_space<vmem_shared>>
      %dma_start3A_371 = arith.constant 0 : i32
      %dma_start3A_372 = tpu.memref_slice %arg11[%add3A_30, %dma_start3A_371] : memref<10008x128xf32, #tpu.memory_space<vmem_shared>> -> memref<128x128xf32, #tpu.memory_space<vmem_shared>>
      tpu.enqueue_dma source(%arg9 : memref<128x128xf32, #tpu.memory_space<vmem>>) target(%dma_start3A_372 : memref<128x128xf32, #tpu.memory_space<vmem_shared>>) target_semaphore(%run_scoped3A : memref<!tpu.dma_semaphore, #tpu.memory_space<semaphore_mem>>)
      %dma_wait3A_373 = arith.constant 0 : i32
      %dma_wait3A_374 = tpu.memref_slice %arg11[%add3A_30, %dma_wait3A_373] : memref<10008x128xf32, #tpu.memory_space<vmem_shared>> -> memref<128x128xf32, #tpu.memory_space<vmem_shared>>
      %dma_wait3A_375 = arith.constant 0 : i32
      %dma_wait3A_376 = tpu.memref_slice %arg11[%add3A_30, %dma_wait3A_375] : memref<10008x128xf32, #tpu.memory_space<vmem_shared>> -> memref<128x128xf32, #tpu.memory_space<vmem_shared>>
      tpu.wait_dma2 semaphore(%run_scoped3A : memref<!tpu.dma_semaphore, #tpu.memory_space<semaphore_mem>>) src(%arg9 : memref<128x128xf32, #tpu.memory_space<vmem>>) dst(%dma_wait3A_376 : memref<128x128xf32, #tpu.memory_space<vmem_shared>>)
      tpu.yield
    }) : () -> ()
    %mul3A_31 = arith.constant 624 : i32
    %mul3A_32 = arith.muli %arg1, %mul3A_31 : i32
    %add3A_33 = arith.constant 512 : i32
    %add3A_34 = arith.addi %mul3A_32, %add3A_33 : i32
    "tpu.region"() ({
      %run_scoped3A = tpu.sem_alloc : memref<!tpu.dma_semaphore, #tpu.memory_space<semaphore_mem>>
      %dma_start3A_369 = arith.constant 0 : i32
      %dma_start3A_370 = arith.constant 0 : i32
      %dma_start3A_371 = tpu.memref_slice %arg9[%dma_start3A_369, %dma_start3A_370] : memref<128x128xf32, #tpu.memory_space<vmem>> -> memref<112x128xf32, #tpu.memory_space<vmem>>
      %dma_start3A_372 = arith.constant 0 : i32
      %dma_start3A_373 = tpu.memref_slice %arg11[%add3A_34, %dma_start3A_372] : memref<10008x128xf32, #tpu.memory_space<vmem_shared>> -> memref<112x128xf32, #tpu.memory_space<vmem_shared>>
      %dma_start3A_374 = arith.constant 0 : i32
      %dma_start3A_375 = tpu.memref_slice %arg11[%add3A_34, %dma_start3A_374] : memref<10008x128xf32, #tpu.memory_space<vmem_shared>> -> memref<112x128xf32, #tpu.memory_space<vmem_shared>>
      %dma_start3A_376 = arith.constant 0 : i32
      %dma_start3A_377 = arith.constant 0 : i32
      %dma_start3A_378 = tpu.memref_slice %arg9[%dma_start3A_376, %dma_start3A_377] : memref<128x128xf32, #tpu.memory_space<vmem>> -> memref<112x128xf32, #tpu.memory_space<vmem>>
      tpu.enqueue_dma source(%dma_start3A_378 : memref<112x128xf32, #tpu.memory_space<vmem>>) target(%dma_start3A_375 : memref<112x128xf32, #tpu.memory_space<vmem_shared>>) target_semaphore(%run_scoped3A : memref<!tpu.dma_semaphore, #tpu.memory_space<semaphore_mem>>)
      %dma_wait3A_379 = arith.constant 0 : i32
      %dma_wait3A_380 = arith.constant 0 : i32
      %dma_wait3A_381 = tpu.memref_slice %arg9[%dma_wait3A_379, %dma_wait3A_380] : memref<128x128xf32, #tpu.memory_space<vmem>> -> memref<112x128xf32, #tpu.memory_space<vmem>>
      %dma_wait3A_382 = arith.constant 0 : i32
      %dma_wait3A_383 = tpu.memref_slice %arg11[%add3A_34, %dma_wait3A_382] : memref<10008x128xf32, #tpu.memory_space<vmem_shared>> -> memref<112x128xf32, #tpu.memory_space<vmem_shared>>
      %dma_wait3A_384 = arith.constant 0 : i32
      %dma_wait3A_385 = tpu.memref_slice %arg11[%add3A_34, %dma_wait3A_384] : memref<10008x128xf32, #tpu.memory_space<vmem_shared>> -> memref<112x128xf32, #tpu.memory_space<vmem_shared>>
      %dma_wait3A_386 = arith.constant 0 : i32
      %dma_wait3A_387 = arith.constant 0 : i32
      %dma_wait3A_388 = tpu.memref_slice %arg9[%dma_wait3A_386, %dma_wait3A_387] : memref<128x128xf32, #tpu.memory_space<vmem>> -> memref<112x128xf32, #tpu.memory_space<vmem>>
      tpu.wait_dma2 semaphore(%run_scoped3A : memref<!tpu.dma_semaphore, #tpu.memory_space<semaphore_mem>>) src(%dma_wait3A_388 : memref<112x128xf32, #tpu.memory_space<vmem>>) dst(%dma_wait3A_385 : memref<112x128xf32, #tpu.memory_space<vmem_shared>>)
      tpu.yield
    }) : () -> ()
    %eq3A = arith.constant 15 : i32
    %eq3A_35 = arith.cmpi eq, %arg1, %eq3A : i32
    %convert_element_type3A = arith.extui %eq3A_35 : i1 to i32
    %cond3A = arith.constant 0 : i32
    %cond3A_36 = arith.cmpi ne, %convert_element_type3A, %cond3A : i32
    scf.if %cond3A_36 {
      "tpu.region"() ({
        %run_scoped3A = tpu.sem_alloc : memref<!tpu.dma_semaphore, #tpu.memory_space<semaphore_mem>>
        %dma_start3A_369 = arith.constant 0 : i32
        %dma_start3A_370 = arith.constant 0 : i32
        %dma_start3A_371 = tpu.memref_slice %arg9[%dma_start3A_369, %dma_start3A_370] : memref<128x128xf32, #tpu.memory_space<vmem>> -> memref<16x128xf32, #tpu.memory_space<vmem>>
        %dma_start3A_372 = arith.constant 9984 : i32
        %dma_start3A_373 = arith.constant 0 : i32
        %dma_start3A_374 = tpu.memref_slice %arg11[%dma_start3A_372, %dma_start3A_373] : memref<10008x128xf32, #tpu.memory_space<vmem_shared>> -> memref<16x128xf32, #tpu.memory_space<vmem_shared>>
        %dma_start3A_375 = arith.constant 9984 : i32
        %dma_start3A_376 = arith.constant 0 : i32
        %dma_start3A_377 = tpu.memref_slice %arg11[%dma_start3A_375, %dma_start3A_376] : memref<10008x128xf32, #tpu.memory_space<vmem_shared>> -> memref<16x128xf32, #tpu.memory_space<vmem_shared>>
        %dma_start3A_378 = arith.constant 0 : i32
        %dma_start3A_379 = arith.constant 0 : i32
        %dma_start3A_380 = tpu.memref_slice %arg9[%dma_start3A_378, %dma_start3A_379] : memref<128x128xf32, #tpu.memory_space<vmem>> -> memref<16x128xf32, #tpu.memory_space<vmem>>
        tpu.enqueue_dma source(%dma_start3A_380 : memref<16x128xf32, #tpu.memory_space<vmem>>) target(%dma_start3A_377 : memref<16x128xf32, #tpu.memory_space<vmem_shared>>) target_semaphore(%run_scoped3A : memref<!tpu.dma_semaphore, #tpu.memory_space<semaphore_mem>>)
        %dma_wait3A_381 = arith.constant 0 : i32
        %dma_wait3A_382 = arith.constant 0 : i32
        %dma_wait3A_383 = tpu.memref_slice %arg9[%dma_wait3A_381, %dma_wait3A_382] : memref<128x128xf32, #tpu.memory_space<vmem>> -> memref<16x128xf32, #tpu.memory_space<vmem>>
        %dma_wait3A_384 = arith.constant 9984 : i32
        %dma_wait3A_385 = arith.constant 0 : i32
        %dma_wait3A_386 = tpu.memref_slice %arg11[%dma_wait3A_384, %dma_wait3A_385] : memref<10008x128xf32, #tpu.memory_space<vmem_shared>> -> memref<16x128xf32, #tpu.memory_space<vmem_shared>>
        %dma_wait3A_387 = arith.constant 9984 : i32
        %dma_wait3A_388 = arith.constant 0 : i32
        %dma_wait3A_389 = tpu.memref_slice %arg11[%dma_wait3A_387, %dma_wait3A_388] : memref<10008x128xf32, #tpu.memory_space<vmem_shared>> -> memref<16x128xf32, #tpu.memory_space<vmem_shared>>
        %dma_wait3A_390 = arith.constant 0 : i32
        %dma_wait3A_391 = arith.constant 0 : i32
        %dma_wait3A_392 = tpu.memref_slice %arg9[%dma_wait3A_390, %dma_wait3A_391] : memref<128x128xf32, #tpu.memory_space<vmem>> -> memref<16x128xf32, #tpu.memory_space<vmem>>
        tpu.wait_dma2 semaphore(%run_scoped3A : memref<!tpu.dma_semaphore, #tpu.memory_space<semaphore_mem>>) src(%dma_wait3A_392 : memref<16x128xf32, #tpu.memory_space<vmem>>) dst(%dma_wait3A_389 : memref<16x128xf32, #tpu.memory_space<vmem_shared>>)
        tpu.yield
      }) : () -> ()
    } else {
    }
    %barrier3A = arith.constant 0 : index
    tpu.barrier barrier_id(%barrier3A)
    %add3A_37 = arith.constant 0 : i32
    %add3A_38 = arith.addi %add3A_4, %add3A_37 : i32
    %mul3A_39 = arith.constant 128 : i32
    %mul3A_40 = arith.muli %add3A_38, %mul3A_39 : i32
    %multiple_of3A = tpu.assume_multiple %mul3A_40, 128 : i32
    %dma_start3A = arith.constant 0 : i32
    %dma_start3A_41 = arith.constant 0 : i32
    %dma_start3A_42 = arith.constant 0 : i32
    %dma_start3A_43 = tpu.memref_slice %arg5[%dma_start3A, %dma_start3A_41, %dma_start3A_42] : memref<4x2x128xi32, #tpu.memory_space<vmem>> -> memref<1x2x128xi32, #tpu.memory_space<vmem>>
    %dma_start3A_44 = tpu.memref_squeeze %dma_start3A_43 : memref<1x2x128xi32, #tpu.memory_space<vmem>> -> memref<2x128xi32, #tpu.memory_space<vmem>>
    %dma_start3A_45 = arith.constant 0 : i32
    %dma_start3A_46 = tpu.memref_slice %arg2[%dma_start3A_45, %multiple_of3A] : memref<2x320768xi32, #tpu.memory_space<hbm>> -> memref<2x128xi32, #tpu.memory_space<hbm>>
    %dma_start3A_47 = arith.constant 0 : i32
    %dma_start3A_48 = arith.constant 0 : i32
    %dma_start3A_49 = tpu.memref_slice %arg5[%dma_start3A, %dma_start3A_47, %dma_start3A_48] : memref<4x2x128xi32, #tpu.memory_space<vmem>> -> memref<1x2x128xi32, #tpu.memory_space<vmem>>
    %dma_start3A_50 = tpu.memref_squeeze %dma_start3A_49 : memref<1x2x128xi32, #tpu.memory_space<vmem>> -> memref<2x128xi32, #tpu.memory_space<vmem>>
    %dma_start3A_51 = arith.constant 0 : i32
    %dma_start3A_52 = tpu.memref_slice %arg2[%dma_start3A_51, %multiple_of3A] : memref<2x320768xi32, #tpu.memory_space<hbm>> -> memref<2x128xi32, #tpu.memory_space<hbm>>
    tpu.enqueue_dma source(%dma_start3A_52 : memref<2x128xi32, #tpu.memory_space<hbm>>) target(%dma_start3A_50 : memref<2x128xi32, #tpu.memory_space<vmem>>) target_semaphore(%arg14 : memref<!tpu.dma_semaphore, #tpu.memory_space<semaphore_mem>>)
    %add3A_53 = arith.constant 1 : i32
    %add3A_54 = arith.addi %add3A_4, %add3A_53 : i32
    %mul3A_55 = arith.constant 128 : i32
    %mul3A_56 = arith.muli %add3A_54, %mul3A_55 : i32
    %multiple_of3A_57 = tpu.assume_multiple %mul3A_56, 128 : i32
    %dma_start3A_58 = arith.constant 1 : i32
    %dma_start3A_59 = arith.constant 0 : i32
    %dma_start3A_60 = arith.constant 0 : i32
    %dma_start3A_61 = tpu.memref_slice %arg5[%dma_start3A_58, %dma_start3A_59, %dma_start3A_60] : memref<4x2x128xi32, #tpu.memory_space<vmem>> -> memref<1x2x128xi32, #tpu.memory_space<vmem>>
    %dma_start3A_62 = tpu.memref_squeeze %dma_start3A_61 : memref<1x2x128xi32, #tpu.memory_space<vmem>> -> memref<2x128xi32, #tpu.memory_space<vmem>>
    %dma_start3A_63 = arith.constant 0 : i32
    %dma_start3A_64 = tpu.memref_slice %arg2[%dma_start3A_63, %multiple_of3A_57] : memref<2x320768xi32, #tpu.memory_space<hbm>> -> memref<2x128xi32, #tpu.memory_space<hbm>>
    %dma_start3A_65 = arith.constant 0 : i32
    %dma_start3A_66 = arith.constant 0 : i32
    %dma_start3A_67 = tpu.memref_slice %arg5[%dma_start3A_58, %dma_start3A_65, %dma_start3A_66] : memref<4x2x128xi32, #tpu.memory_space<vmem>> -> memref<1x2x128xi32, #tpu.memory_space<vmem>>
    %dma_start3A_68 = tpu.memref_squeeze %dma_start3A_67 : memref<1x2x128xi32, #tpu.memory_space<vmem>> -> memref<2x128xi32, #tpu.memory_space<vmem>>
    %dma_start3A_69 = arith.constant 0 : i32
    %dma_start3A_70 = tpu.memref_slice %arg2[%dma_start3A_69, %multiple_of3A_57] : memref<2x320768xi32, #tpu.memory_space<hbm>> -> memref<2x128xi32, #tpu.memory_space<hbm>>
    tpu.enqueue_dma source(%dma_start3A_70 : memref<2x128xi32, #tpu.memory_space<hbm>>) target(%dma_start3A_68 : memref<2x128xi32, #tpu.memory_space<vmem>>) target_semaphore(%arg15 : memref<!tpu.dma_semaphore, #tpu.memory_space<semaphore_mem>>)
    %add3A_71 = arith.constant 2 : i32
    %add3A_72 = arith.addi %add3A_4, %add3A_71 : i32
    %mul3A_73 = arith.constant 128 : i32
    %mul3A_74 = arith.muli %add3A_72, %mul3A_73 : i32
    %multiple_of3A_75 = tpu.assume_multiple %mul3A_74, 128 : i32
    %dma_start3A_76 = arith.constant 2 : i32
    %dma_start3A_77 = arith.constant 0 : i32
    %dma_start3A_78 = arith.constant 0 : i32
    %dma_start3A_79 = tpu.memref_slice %arg5[%dma_start3A_76, %dma_start3A_77, %dma_start3A_78] : memref<4x2x128xi32, #tpu.memory_space<vmem>> -> memref<1x2x128xi32, #tpu.memory_space<vmem>>
    %dma_start3A_80 = tpu.memref_squeeze %dma_start3A_79 : memref<1x2x128xi32, #tpu.memory_space<vmem>> -> memref<2x128xi32, #tpu.memory_space<vmem>>
    %dma_start3A_81 = arith.constant 0 : i32
    %dma_start3A_82 = tpu.memref_slice %arg2[%dma_start3A_81, %multiple_of3A_75] : memref<2x320768xi32, #tpu.memory_space<hbm>> -> memref<2x128xi32, #tpu.memory_space<hbm>>
    %dma_start3A_83 = arith.constant 0 : i32
    %dma_start3A_84 = arith.constant 0 : i32
    %dma_start3A_85 = tpu.memref_slice %arg5[%dma_start3A_76, %dma_start3A_83, %dma_start3A_84] : memref<4x2x128xi32, #tpu.memory_space<vmem>> -> memref<1x2x128xi32, #tpu.memory_space<vmem>>
    %dma_start3A_86 = tpu.memref_squeeze %dma_start3A_85 : memref<1x2x128xi32, #tpu.memory_space<vmem>> -> memref<2x128xi32, #tpu.memory_space<vmem>>
    %dma_start3A_87 = arith.constant 0 : i32
    %dma_start3A_88 = tpu.memref_slice %arg2[%dma_start3A_87, %multiple_of3A_75] : memref<2x320768xi32, #tpu.memory_space<hbm>> -> memref<2x128xi32, #tpu.memory_space<hbm>>
    tpu.enqueue_dma source(%dma_start3A_88 : memref<2x128xi32, #tpu.memory_space<hbm>>) target(%dma_start3A_86 : memref<2x128xi32, #tpu.memory_space<vmem>>) target_semaphore(%arg16 : memref<!tpu.dma_semaphore, #tpu.memory_space<semaphore_mem>>)
    %add3A_89 = arith.constant 3 : i32
    %add3A_90 = arith.addi %add3A_4, %add3A_89 : i32
    %mul3A_91 = arith.constant 128 : i32
    %mul3A_92 = arith.muli %add3A_90, %mul3A_91 : i32
    %multiple_of3A_93 = tpu.assume_multiple %mul3A_92, 128 : i32
    %dma_start3A_94 = arith.constant 3 : i32
    %dma_start3A_95 = arith.constant 0 : i32
    %dma_start3A_96 = arith.constant 0 : i32
    %dma_start3A_97 = tpu.memref_slice %arg5[%dma_start3A_94, %dma_start3A_95, %dma_start3A_96] : memref<4x2x128xi32, #tpu.memory_space<vmem>> -> memref<1x2x128xi32, #tpu.memory_space<vmem>>
    %dma_start3A_98 = tpu.memref_squeeze %dma_start3A_97 : memref<1x2x128xi32, #tpu.memory_space<vmem>> -> memref<2x128xi32, #tpu.memory_space<vmem>>
    %dma_start3A_99 = arith.constant 0 : i32
    %dma_start3A_100 = tpu.memref_slice %arg2[%dma_start3A_99, %multiple_of3A_93] : memref<2x320768xi32, #tpu.memory_space<hbm>> -> memref<2x128xi32, #tpu.memory_space<hbm>>
    %dma_start3A_101 = arith.constant 0 : i32
    %dma_start3A_102 = arith.constant 0 : i32
    %dma_start3A_103 = tpu.memref_slice %arg5[%dma_start3A_94, %dma_start3A_101, %dma_start3A_102] : memref<4x2x128xi32, #tpu.memory_space<vmem>> -> memref<1x2x128xi32, #tpu.memory_space<vmem>>
    %dma_start3A_104 = tpu.memref_squeeze %dma_start3A_103 : memref<1x2x128xi32, #tpu.memory_space<vmem>> -> memref<2x128xi32, #tpu.memory_space<vmem>>
    %dma_start3A_105 = arith.constant 0 : i32
    %dma_start3A_106 = tpu.memref_slice %arg2[%dma_start3A_105, %multiple_of3A_93] : memref<2x320768xi32, #tpu.memory_space<hbm>> -> memref<2x128xi32, #tpu.memory_space<hbm>>
    tpu.enqueue_dma source(%dma_start3A_106 : memref<2x128xi32, #tpu.memory_space<hbm>>) target(%dma_start3A_104 : memref<2x128xi32, #tpu.memory_space<vmem>>) target_semaphore(%arg17 : memref<!tpu.dma_semaphore, #tpu.memory_space<semaphore_mem>>)
    %dma_wait3A = arith.constant 0 : i32
    %dma_wait3A_107 = arith.constant 0 : i32
    %dma_wait3A_108 = arith.constant 0 : i32
    %dma_wait3A_109 = tpu.memref_slice %arg5[%dma_wait3A, %dma_wait3A_107, %dma_wait3A_108] : memref<4x2x128xi32, #tpu.memory_space<vmem>> -> memref<1x2x128xi32, #tpu.memory_space<vmem>>
    %dma_wait3A_110 = tpu.memref_squeeze %dma_wait3A_109 : memref<1x2x128xi32, #tpu.memory_space<vmem>> -> memref<2x128xi32, #tpu.memory_space<vmem>>
    %dma_wait3A_111 = arith.constant 0 : i32
    %dma_wait3A_112 = arith.constant 0 : i32
    %dma_wait3A_113 = tpu.memref_slice %arg2[%dma_wait3A_111, %dma_wait3A_112] : memref<2x320768xi32, #tpu.memory_space<hbm>> -> memref<2x128xi32, #tpu.memory_space<hbm>>
    %dma_wait3A_114 = arith.constant 0 : i32
    %dma_wait3A_115 = arith.constant 0 : i32
    %dma_wait3A_116 = tpu.memref_slice %arg5[%dma_wait3A, %dma_wait3A_114, %dma_wait3A_115] : memref<4x2x128xi32, #tpu.memory_space<vmem>> -> memref<1x2x128xi32, #tpu.memory_space<vmem>>
    %dma_wait3A_117 = tpu.memref_squeeze %dma_wait3A_116 : memref<1x2x128xi32, #tpu.memory_space<vmem>> -> memref<2x128xi32, #tpu.memory_space<vmem>>
    %dma_wait3A_118 = arith.constant 0 : i32
    %dma_wait3A_119 = arith.constant 0 : i32
    %dma_wait3A_120 = tpu.memref_slice %arg2[%dma_wait3A_118, %dma_wait3A_119] : memref<2x320768xi32, #tpu.memory_space<hbm>> -> memref<2x128xi32, #tpu.memory_space<hbm>>
    tpu.wait_dma2 semaphore(%arg14 : memref<!tpu.dma_semaphore, #tpu.memory_space<semaphore_mem>>) src(%dma_wait3A_120 : memref<2x128xi32, #tpu.memory_space<hbm>>) dst(%dma_wait3A_117 : memref<2x128xi32, #tpu.memory_space<vmem>>)
    %get3A = arith.constant 0 : i32
    %get3A_121 = arith.constant 0 : i32
    %get3A_122 = arith.index_cast %get3A : i32 to index
    %get3A_123 = arith.index_cast %get3A_121 : i32 to index
    %get3A_124 = arith.constant 0 : index
    %get3A_125 = tpu.vector_load %arg5[%get3A_122, %get3A_123, %get3A_124] {strides = array<i32>} : memref<4x2x128xi32, #tpu.memory_space<vmem>>, vector<1x1x16xi32>,
    %get3A_126 = vector.shape_cast %get3A_125 : vector<1x1x16xi32> to vector<16xi32>
    %swap3A = arith.constant 0 : index
    %swap3A_127 = tpu.vector_load %arg6[%swap3A] {strides = array<i32>} : memref<128xi32, #tpu.memory_space<vmem>>, vector<16xi32>,
    %swap3A_128 = vector.shape_cast %swap3A_127 : vector<16xi32> to vector<16xi32>
    %swap3A_129 = vector.shape_cast %get3A_126 : vector<16xi32> to vector<16xi32>
    tpu.vector_store %arg6[%swap3A], %swap3A_129 {strides = array<i32>} : memref<128xi32, #tpu.memory_space<vmem>>, vector<16xi32>,
    %get3A_130 = arith.constant 0 : i32
    %get3A_131 = arith.constant 0 : i32
    %get3A_132 = arith.index_cast %get3A_130 : i32 to index
    %get3A_133 = arith.index_cast %get3A_131 : i32 to index
    %get3A_134 = arith.constant 16 : index
    %get3A_135 = tpu.vector_load %arg5[%get3A_132, %get3A_133, %get3A_134] {strides = array<i32>} : memref<4x2x128xi32, #tpu.memory_space<vmem>>, vector<1x1x16xi32>,
    %get3A_136 = vector.shape_cast %get3A_135 : vector<1x1x16xi32> to vector<16xi32>
    %swap3A_137 = arith.constant 16 : index
    %swap3A_138 = tpu.vector_load %arg6[%swap3A_137] {strides = array<i32>} : memref<128xi32, #tpu.memory_space<vmem>>, vector<16xi32>,
    %swap3A_139 = vector.shape_cast %swap3A_138 : vector<16xi32> to vector<16xi32>
    %swap3A_140 = vector.shape_cast %get3A_136 : vector<16xi32> to vector<16xi32>
    tpu.vector_store %arg6[%swap3A_137], %swap3A_140 {strides = array<i32>} : memref<128xi32, #tpu.memory_space<vmem>>, vector<16xi32>,
    %get3A_141 = arith.constant 0 : i32
    %get3A_142 = arith.constant 0 : i32
    %get3A_143 = arith.index_cast %get3A_141 : i32 to index
    %get3A_144 = arith.index_cast %get3A_142 : i32 to index
    %get3A_145 = arith.constant 32 : index
    %get3A_146 = tpu.vector_load %arg5[%get3A_143, %get3A_144, %get3A_145] {strides = array<i32>} : memref<4x2x128xi32, #tpu.memory_space<vmem>>, vector<1x1x16xi32>,
    %get3A_147 = vector.shape_cast %get3A_146 : vector<1x1x16xi32> to vector<16xi32>
    %swap3A_148 = arith.constant 32 : index
    %swap3A_149 = tpu.vector_load %arg6[%swap3A_148] {strides = array<i32>} : memref<128xi32, #tpu.memory_space<vmem>>, vector<16xi32>,
    %swap3A_150 = vector.shape_cast %swap3A_149 : vector<16xi32> to vector<16xi32>
    %swap3A_151 = vector.shape_cast %get3A_147 : vector<16xi32> to vector<16xi32>
    tpu.vector_store %arg6[%swap3A_148], %swap3A_151 {strides = array<i32>} : memref<128xi32, #tpu.memory_space<vmem>>, vector<16xi32>,
    %get3A_152 = arith.constant 0 : i32
    %get3A_153 = arith.constant 0 : i32
    %get3A_154 = arith.index_cast %get3A_152 : i32 to index
    %get3A_155 = arith.index_cast %get3A_153 : i32 to index
    %get3A_156 = arith.constant 48 : index
    %get3A_157 = tpu.vector_load %arg5[%get3A_154, %get3A_155, %get3A_156] {strides = array<i32>} : memref<4x2x128xi32, #tpu.memory_space<vmem>>, vector<1x1x16xi32>,
    %get3A_158 = vector.shape_cast %get3A_157 : vector<1x1x16xi32> to vector<16xi32>
    %swap3A_159 = arith.constant 48 : index
    %swap3A_160 = tpu.vector_load %arg6[%swap3A_159] {strides = array<i32>} : memref<128xi32, #tpu.memory_space<vmem>>, vector<16xi32>,
    %swap3A_161 = vector.shape_cast %swap3A_160 : vector<16xi32> to vector<16xi32>
    %swap3A_162 = vector.shape_cast %get3A_158 : vector<16xi32> to vector<16xi32>
    tpu.vector_store %arg6[%swap3A_159], %swap3A_162 {strides = array<i32>} : memref<128xi32, #tpu.memory_space<vmem>>, vector<16xi32>,
    %get3A_163 = arith.constant 0 : i32
    %get3A_164 = arith.constant 0 : i32
    %get3A_165 = arith.index_cast %get3A_163 : i32 to index
    %get3A_166 = arith.index_cast %get3A_164 : i32 to index
    %get3A_167 = arith.constant 64 : index
    %get3A_168 = tpu.vector_load %arg5[%get3A_165, %get3A_166, %get3A_167] {strides = array<i32>} : memref<4x2x128xi32, #tpu.memory_space<vmem>>, vector<1x1x16xi32>,
    %get3A_169 = vector.shape_cast %get3A_168 : vector<1x1x16xi32> to vector<16xi32>
    %swap3A_170 = arith.constant 64 : index
    %swap3A_171 = tpu.vector_load %arg6[%swap3A_170] {strides = array<i32>} : memref<128xi32, #tpu.memory_space<vmem>>, vector<16xi32>,
    %swap3A_172 = vector.shape_cast %swap3A_171 : vector<16xi32> to vector<16xi32>
    %swap3A_173 = vector.shape_cast %get3A_169 : vector<16xi32> to vector<16xi32>
    tpu.vector_store %arg6[%swap3A_170], %swap3A_173 {strides = array<i32>} : memref<128xi32, #tpu.memory_space<vmem>>, vector<16xi32>,
    %get3A_174 = arith.constant 0 : i32
    %get3A_175 = arith.constant 0 : i32
    %get3A_176 = arith.index_cast %get3A_174 : i32 to index
    %get3A_177 = arith.index_cast %get3A_175 : i32 to index
    %get3A_178 = arith.constant 80 : index
    %get3A_179 = tpu.vector_load %arg5[%get3A_176, %get3A_177, %get3A_178] {strides = array<i32>} : memref<4x2x128xi32, #tpu.memory_space<vmem>>, vector<1x1x16xi32>,
    %get3A_180 = vector.shape_cast %get3A_179 : vector<1x1x16xi32> to vector<16xi32>
    %swap3A_181 = arith.constant 80 : index
    %swap3A_182 = tpu.vector_load %arg6[%swap3A_181] {strides = array<i32>} : memref<128xi32, #tpu.memory_space<vmem>>, vector<16xi32>,
    %swap3A_183 = vector.shape_cast %swap3A_182 : vector<16xi32> to vector<16xi32>
    %swap3A_184 = vector.shape_cast %get3A_180 : vector<16xi32> to vector<16xi32>
    tpu.vector_store %arg6[%swap3A_181], %swap3A_184 {strides = array<i32>} : memref<128xi32, #tpu.memory_space<vmem>>, vector<16xi32>,
    %get3A_185 = arith.constant 0 : i32
    %get3A_186 = arith.constant 0 : i32
    %get3A_187 = arith.index_cast %get3A_185 : i32 to index
    %get3A_188 = arith.index_cast %get3A_186 : i32 to index
    %get3A_189 = arith.constant 96 : index
    %get3A_190 = tpu.vector_load %arg5[%get3A_187, %get3A_188, %get3A_189] {strides = array<i32>} : memref<4x2x128xi32, #tpu.memory_space<vmem>>, vector<1x1x16xi32>,
    %get3A_191 = vector.shape_cast %get3A_190 : vector<1x1x16xi32> to vector<16xi32>
    %swap3A_192 = arith.constant 96 : index
    %swap3A_193 = tpu.vector_load %arg6[%swap3A_192] {strides = array<i32>} : memref<128xi32, #tpu.memory_space<vmem>>, vector<16xi32>,
    %swap3A_194 = vector.shape_cast %swap3A_193 : vector<16xi32> to vector<16xi32>
    %swap3A_195 = vector.shape_cast %get3A_191 : vector<16xi32> to vector<16xi32>
    tpu.vector_store %arg6[%swap3A_192], %swap3A_195 {strides = array<i32>} : memref<128xi32, #tpu.memory_space<vmem>>, vector<16xi32>,
    %get3A_196 = arith.constant 0 : i32
    %get3A_197 = arith.constant 0 : i32
    %get3A_198 = arith.index_cast %get3A_196 : i32 to index
    %get3A_199 = arith.index_cast %get3A_197 : i32 to index
    %get3A_200 = arith.constant 112 : index
    %get3A_201 = tpu.vector_load %arg5[%get3A_198, %get3A_199, %get3A_200] {strides = array<i32>} : memref<4x2x128xi32, #tpu.memory_space<vmem>>, vector<1x1x16xi32>,
    %get3A_202 = vector.shape_cast %get3A_201 : vector<1x1x16xi32> to vector<16xi32>
    %swap3A_203 = arith.constant 112 : index
    %swap3A_204 = tpu.vector_load %arg6[%swap3A_203] {strides = array<i32>} : memref<128xi32, #tpu.memory_space<vmem>>, vector<16xi32>,
    %swap3A_205 = vector.shape_cast %swap3A_204 : vector<16xi32> to vector<16xi32>
    %swap3A_206 = vector.shape_cast %get3A_202 : vector<16xi32> to vector<16xi32>
    tpu.vector_store %arg6[%swap3A_203], %swap3A_206 {strides = array<i32>} : memref<128xi32, #tpu.memory_space<vmem>>, vector<16xi32>,
    %dma_start3A_207 = arith.constant 0 : i32
    %dma_start3A_208 = arith.constant 0 : i32
    %dma_start3A_209 = tpu.memref_slice %arg3[%dma_start3A_207, %dma_start3A_208] : memref<10000x128xf32, #tpu.memory_space<hbm>> -> memref<10000x128xf32, #tpu.memory_space<hbm>>
    tpu.enqueue_indirect_dma source(%dma_start3A_209 : memref<10000x128xf32, #tpu.memory_space<hbm>>) target(%arg9 : memref<128x128xf32, #tpu.memory_space<vmem>>) offsets(%arg6 : memref<128xi32, #tpu.memory_space<vmem>>) semaphore(%arg12 : memref<!tpu.dma_semaphore, #tpu.memory_space<semaphore_mem>>)
    %dma_wait3A_210 = arith.constant 1 : i32
    %dma_wait3A_211 = arith.constant 0 : i32
    %dma_wait3A_212 = arith.constant 0 : i32
    %dma_wait3A_213 = tpu.memref_slice %arg5[%dma_wait3A_210, %dma_wait3A_211, %dma_wait3A_212] : memref<4x2x128xi32, #tpu.memory_space<vmem>> -> memref<1x2x128xi32, #tpu.memory_space<vmem>>
    %dma_wait3A_214 = tpu.memref_squeeze %dma_wait3A_213 : memref<1x2x128xi32, #tpu.memory_space<vmem>> -> memref<2x128xi32, #tpu.memory_space<vmem>>
    %dma_wait3A_215 = arith.constant 0 : i32
    %dma_wait3A_216 = arith.constant 0 : i32
    %dma_wait3A_217 = tpu.memref_slice %arg2[%dma_wait3A_215, %dma_wait3A_216] : memref<2x320768xi32, #tpu.memory_space<hbm>> -> memref<2x128xi32, #tpu.memory_space<hbm>>
    %dma_wait3A_218 = arith.constant 0 : i32
    %dma_wait3A_219 = arith.constant 0 : i32
    %dma_wait3A_220 = tpu.memref_slice %arg5[%dma_wait3A_210, %dma_wait3A_218, %dma_wait3A_219] : memref<4x2x128xi32, #tpu.memory_space<vmem>> -> memref<1x2x128xi32, #tpu.memory_space<vmem>>
    %dma_wait3A_221 = tpu.memref_squeeze %dma_wait3A_220 : memref<1x2x128xi32, #tpu.memory_space<vmem>> -> memref<2x128xi32, #tpu.memory_space<vmem>>
    %dma_wait3A_222 = arith.constant 0 : i32
    %dma_wait3A_223 = arith.constant 0 : i32
    %dma_wait3A_224 = tpu.memref_slice %arg2[%dma_wait3A_222, %dma_wait3A_223] : memref<2x320768xi32, #tpu.memory_space<hbm>> -> memref<2x128xi32, #tpu.memory_space<hbm>>
    tpu.wait_dma2 semaphore(%arg15 : memref<!tpu.dma_semaphore, #tpu.memory_space<semaphore_mem>>) src(%dma_wait3A_224 : memref<2x128xi32, #tpu.memory_space<hbm>>) dst(%dma_wait3A_221 : memref<2x128xi32, #tpu.memory_space<vmem>>)
    %get3A_225 = arith.constant 1 : i32
    %get3A_226 = arith.constant 0 : i32
    %get3A_227 = arith.index_cast %get3A_225 : i32 to index
    %get3A_228 = arith.index_cast %get3A_226 : i32 to index
    %get3A_229 = arith.constant 0 : index
    %get3A_230 = tpu.vector_load %arg5[%get3A_227, %get3A_228, %get3A_229] {strides = array<i32>} : memref<4x2x128xi32, #tpu.memory_space<vmem>>, vector<1x1x16xi32>,
    %get3A_231 = vector.shape_cast %get3A_230 : vector<1x1x16xi32> to vector<16xi32>
    %swap3A_232 = arith.constant 0 : index
    %swap3A_233 = tpu.vector_load %arg7[%swap3A_232] {strides = array<i32>} : memref<128xi32, #tpu.memory_space<vmem>>, vector<16xi32>,
    %swap3A_234 = vector.shape_cast %swap3A_233 : vector<16xi32> to vector<16xi32>
    %swap3A_235 = vector.shape_cast %get3A_231 : vector<16xi32> to vector<16xi32>
    tpu.vector_store %arg7[%swap3A_232], %swap3A_235 {strides = array<i32>} : memref<128xi32, #tpu.memory_space<vmem>>, vector<16xi32>,
    %get3A_236 = arith.constant 1 : i32
    %get3A_237 = arith.constant 0 : i32
    %get3A_238 = arith.index_cast %get3A_236 : i32 to index
    %get3A_239 = arith.index_cast %get3A_237 : i32 to index
    %get3A_240 = arith.constant 16 : index
    %get3A_241 = tpu.vector_load %arg5[%get3A_238, %get3A_239, %get3A_240] {strides = array<i32>} : memref<4x2x128xi32, #tpu.memory_space<vmem>>, vector<1x1x16xi32>,
    %get3A_242 = vector.shape_cast %get3A_241 : vector<1x1x16xi32> to vector<16xi32>
    %swap3A_243 = arith.constant 16 : index
    %swap3A_244 = tpu.vector_load %arg7[%swap3A_243] {strides = array<i32>} : memref<128xi32, #tpu.memory_space<vmem>>, vector<16xi32>,
    %swap3A_245 = vector.shape_cast %swap3A_244 : vector<16xi32> to vector<16xi32>
    %swap3A_246 = vector.shape_cast %get3A_242 : vector<16xi32> to vector<16xi32>
    tpu.vector_store %arg7[%swap3A_243], %swap3A_246 {strides = array<i32>} : memref<128xi32, #tpu.memory_space<vmem>>, vector<16xi32>,
    %get3A_247 = arith.constant 1 : i32
    %get3A_248 = arith.constant 0 : i32
    %get3A_249 = arith.index_cast %get3A_247 : i32 to index
    %get3A_250 = arith.index_cast %get3A_248 : i32 to index
    %get3A_251 = arith.constant 32 : index
    %get3A_252 = tpu.vector_load %arg5[%get3A_249, %get3A_250, %get3A_251] {strides = array<i32>} : memref<4x2x128xi32, #tpu.memory_space<vmem>>, vector<1x1x16xi32>,
    %get3A_253 = vector.shape_cast %get3A_252 : vector<1x1x16xi32> to vector<16xi32>
    %swap3A_254 = arith.constant 32 : index
    %swap3A_255 = tpu.vector_load %arg7[%swap3A_254] {strides = array<i32>} : memref<128xi32, #tpu.memory_space<vmem>>, vector<16xi32>,
    %swap3A_256 = vector.shape_cast %swap3A_255 : vector<16xi32> to vector<16xi32>
    %swap3A_257 = vector.shape_cast %get3A_253 : vector<16xi32> to vector<16xi32>
    tpu.vector_store %arg7[%swap3A_254], %swap3A_257 {strides = array<i32>} : memref<128xi32, #tpu.memory_space<vmem>>, vector<16xi32>,
    %get3A_258 = arith.constant 1 : i32
    %get3A_259 = arith.constant 0 : i32
    %get3A_260 = arith.index_cast %get3A_258 : i32 to index
    %get3A_261 = arith.index_cast %get3A_259 : i32 to index
    %get3A_262 = arith.constant 48 : index
    %get3A_263 = tpu.vector_load %arg5[%get3A_260, %get3A_261, %get3A_262] {strides = array<i32>} : memref<4x2x128xi32, #tpu.memory_space<vmem>>, vector<1x1x16xi32>,
    %get3A_264 = vector.shape_cast %get3A_263 : vector<1x1x16xi32> to vector<16xi32>
    %swap3A_265 = arith.constant 48 : index
    %swap3A_266 = tpu.vector_load %arg7[%swap3A_265] {strides = array<i32>} : memref<128xi32, #tpu.memory_space<vmem>>, vector<16xi32>,
    %swap3A_267 = vector.shape_cast %swap3A_266 : vector<16xi32> to vector<16xi32>
    %swap3A_268 = vector.shape_cast %get3A_264 : vector<16xi32> to vector<16xi32>
    tpu.vector_store %arg7[%swap3A_265], %swap3A_268 {strides = array<i32>} : memref<128xi32, #tpu.memory_space<vmem>>, vector<16xi32>,
    %get3A_269 = arith.constant 1 : i32
    %get3A_270 = arith.constant 0 : i32
    %get3A_271 = arith.index_cast %get3A_269 : i32 to index
    %get3A_272 = arith.index_cast %get3A_270 : i32 to index
    %get3A_273 = arith.constant 64 : index
    %get3A_274 = tpu.vector_load %arg5[%get3A_271, %get3A_272, %get3A_273] {strides = array<i32>} : memref<4x2x128xi32, #tpu.memory_space<vmem>>, vector<1x1x16xi32>,
    %get3A_275 = vector.shape_cast %get3A_274 : vector<1x1x16xi32> to vector<16xi32>
    %swap3A_276 = arith.constant 64 : index
    %swap3A_277 = tpu.vector_load %arg7[%swap3A_276] {strides = array<i32>} : memref<128xi32, #tpu.memory_space<vmem>>, vector<16xi32>,
    %swap3A_278 = vector.shape_cast %swap3A_277 : vector<16xi32> to vector<16xi32>
    %swap3A_279 = vector.shape_cast %get3A_275 : vector<16xi32> to vector<16xi32>
    tpu.vector_store %arg7[%swap3A_276], %swap3A_279 {strides = array<i32>} : memref<128xi32, #tpu.memory_space<vmem>>, vector<16xi32>,
    %get3A_280 = arith.constant 1 : i32
    %get3A_281 = arith.constant 0 : i32
    %get3A_282 = arith.index_cast %get3A_280 : i32 to index
    %get3A_283 = arith.index_cast %get3A_281 : i32 to index
    %get3A_284 = arith.constant 80 : index
    %get3A_285 = tpu.vector_load %arg5[%get3A_282, %get3A_283, %get3A_284] {strides = array<i32>} : memref<4x2x128xi32, #tpu.memory_space<vmem>>, vector<1x1x16xi32>,
    %get3A_286 = vector.shape_cast %get3A_285 : vector<1x1x16xi32> to vector<16xi32>
    %swap3A_287 = arith.constant 80 : index
    %swap3A_288 = tpu.vector_load %arg7[%swap3A_287] {strides = array<i32>} : memref<128xi32, #tpu.memory_space<vmem>>, vector<16xi32>,
    %swap3A_289 = vector.shape_cast %swap3A_288 : vector<16xi32> to vector<16xi32>
    %swap3A_290 = vector.shape_cast %get3A_286 : vector<16xi32> to vector<16xi32>
    tpu.vector_store %arg7[%swap3A_287], %swap3A_290 {strides = array<i32>} : memref<128xi32, #tpu.memory_space<vmem>>, vector<16xi32>,
    %get3A_291 = arith.constant 1 : i32
    %get3A_292 = arith.constant 0 : i32
    %get3A_293 = arith.index_cast %get3A_291 : i32 to index
    %get3A_294 = arith.index_cast %get3A_292 : i32 to index
    %get3A_295 = arith.constant 96 : index
    %get3A_296 = tpu.vector_load %arg5[%get3A_293, %get3A_294, %get3A_295] {strides = array<i32>} : memref<4x2x128xi32, #tpu.memory_space<vmem>>, vector<1x1x16xi32>,
    %get3A_297 = vector.shape_cast %get3A_296 : vector<1x1x16xi32> to vector<16xi32>
    %swap3A_298 = arith.constant 96 : index
    %swap3A_299 = tpu.vector_load %arg7[%swap3A_298] {strides = array<i32>} : memref<128xi32, #tpu.memory_space<vmem>>, vector<16xi32>,
    %swap3A_300 = vector.shape_cast %swap3A_299 : vector<16xi32> to vector<16xi32>
    %swap3A_301 = vector.shape_cast %get3A_297 : vector<16xi32> to vector<16xi32>
    tpu.vector_store %arg7[%swap3A_298], %swap3A_301 {strides = array<i32>} : memref<128xi32, #tpu.memory_space<vmem>>, vector<16xi32>,
    %get3A_302 = arith.constant 1 : i32
    %get3A_303 = arith.constant 0 : i32
    %get3A_304 = arith.index_cast %get3A_302 : i32 to index
    %get3A_305 = arith.index_cast %get3A_303 : i32 to index
    %get3A_306 = arith.constant 112 : index
    %get3A_307 = tpu.vector_load %arg5[%get3A_304, %get3A_305, %get3A_306] {strides = array<i32>} : memref<4x2x128xi32, #tpu.memory_space<vmem>>, vector<1x1x16xi32>,
    %get3A_308 = vector.shape_cast %get3A_307 : vector<1x1x16xi32> to vector<16xi32>
    %swap3A_309 = arith.constant 112 : index
    %swap3A_310 = tpu.vector_load %arg7[%swap3A_309] {strides = array<i32>} : memref<128xi32, #tpu.memory_space<vmem>>, vector<16xi32>,
    %swap3A_311 = vector.shape_cast %swap3A_310 : vector<16xi32> to vector<16xi32>
    %swap3A_312 = vector.shape_cast %get3A_308 : vector<16xi32> to vector<16xi32>
    tpu.vector_store %arg7[%swap3A_309], %swap3A_312 {strides = array<i32>} : memref<128xi32, #tpu.memory_space<vmem>>, vector<16xi32>,
    %dma_start3A_313 = arith.constant 0 : i32
    %dma_start3A_314 = arith.constant 0 : i32
    %dma_start3A_315 = tpu.memref_slice %arg3[%dma_start3A_313, %dma_start3A_314] : memref<10000x128xf32, #tpu.memory_space<hbm>> -> memref<10000x128xf32, #tpu.memory_space<hbm>>
    tpu.enqueue_indirect_dma source(%dma_start3A_315 : memref<10000x128xf32, #tpu.memory_space<hbm>>) target(%arg10 : memref<128x128xf32, #tpu.memory_space<vmem>>) offsets(%arg7 : memref<128xi32, #tpu.memory_space<vmem>>) semaphore(%arg13 : memref<!tpu.dma_semaphore, #tpu.memory_space<semaphore_mem>>)
    %scan3A_316 = arith.constant 0 : i32
    %scan3A_317 = arith.constant 0 : i32
    %scan3A_318 = arith.constant 20 : i32
    %scan3A_319 = arith.addi %scan3A_317, %scan3A_318 : i32
    %scan3A_320 = arith.constant 1 : i32
    %scan3A_321 = scf.for %scan3A_369 = %scan3A_317 to %scan3A_319 step %scan3A_320 iter_args(%scan3A_370 = %scan3A_316) -> (i32)  : i32 {
      %mul3A_371 = arith.constant 4 : i32
      %mul3A_372 = arith.muli %mul3A_371, %scan3A_369 : i32
      %add3A_373 = arith.constant 0 : i32
      %add3A_374 = arith.addi %mul3A_372, %add3A_373 : i32
      %dma_wait3A_375 = arith.constant 0 : i32
      %dma_wait3A_376 = arith.constant 0 : i32
      %dma_wait3A_377 = tpu.memref_slice %arg3[%dma_wait3A_375, %dma_wait3A_376] : memref<10000x128xf32, #tpu.memory_space<hbm>> -> memref<10000x128xf32, #tpu.memory_space<hbm>>
      tpu.wait_indirect_dma semaphore(%arg12 : memref<!tpu.dma_semaphore, #tpu.memory_space<semaphore_mem>>) src(%dma_wait3A_377 : memref<10000x128xf32, #tpu.memory_space<hbm>>) dst(%arg9 : memref<128x128xf32, #tpu.memory_space<vmem>>)
      %lt3A_378 = arith.cmpi slt, %add3A_374, %add3A_8 : i32
      %broadcast_in_dim3A = arith.constant 10000 : i32
      %broadcast_in_dim3A_379 = vector.broadcast %broadcast_in_dim3A : i32 to vector<16xi32>
      %get3A_380 = arith.constant 0 : i32
      %get3A_381 = arith.constant 1 : i32
      %get3A_382 = arith.index_cast %get3A_380 : i32 to index
      %get3A_383 = arith.index_cast %get3A_381 : i32 to index
      %get3A_384 = arith.constant 0 : index
      %get3A_385 = tpu.vector_load %arg5[%get3A_382, %get3A_383, %get3A_384] {strides = array<i32>} : memref<4x2x128xi32, #tpu.memory_space<vmem>>, vector<1x1x16xi32>,
      %get3A_386 = vector.shape_cast %get3A_385 : vector<1x1x16xi32> to vector<16xi32>
      %select_n3A_387 = arith.select %lt3A_378, %get3A_386, %broadcast_in_dim3A_379 : vector<16xi32>
      %swap3A_388 = arith.constant 0 : index
      %swap3A_389 = tpu.vector_load %arg8[%swap3A_388] {strides = array<i32>} : memref<128xi32, #tpu.memory_space<vmem>>, vector<16xi32>,
      %swap3A_390 = vector.shape_cast %swap3A_389 : vector<16xi32> to vector<16xi32>
      %swap3A_391 = vector.shape_cast %select_n3A_387 : vector<16xi32> to vector<16xi32>
      tpu.vector_store %arg8[%swap3A_388], %swap3A_391 {strides = array<i32>} : memref<128xi32, #tpu.memory_space<vmem>>, vector<16xi32>,
      %get3A_392 = arith.constant 0 : i32
      %get3A_393 = arith.constant 1 : i32
      %get3A_394 = arith.index_cast %get3A_392 : i32 to index
      %get3A_395 = arith.index_cast %get3A_393 : i32 to index
      %get3A_396 = arith.constant 16 : index
      %get3A_397 = tpu.vector_load %arg5[%get3A_394, %get3A_395, %get3A_396] {strides = array<i32>} : memref<4x2x128xi32, #tpu.memory_space<vmem>>, vector<1x1x16xi32>,
      %get3A_398 = vector.shape_cast %get3A_397 : vector<1x1x16xi32> to vector<16xi32>
      %select_n3A_399 = arith.select %lt3A_378, %get3A_398, %broadcast_in_dim3A_379 : vector<16xi32>
      %swap3A_400 = arith.constant 16 : index
      %swap3A_401 = tpu.vector_load %arg8[%swap3A_400] {strides = array<i32>} : memref<128xi32, #tpu.memory_space<vmem>>, vector<16xi32>,
      %swap3A_402 = vector.shape_cast %swap3A_401 : vector<16xi32> to vector<16xi32>
      %swap3A_403 = vector.shape_cast %select_n3A_399 : vector<16xi32> to vector<16xi32>
      tpu.vector_store %arg8[%swap3A_400], %swap3A_403 {strides = array<i32>} : memref<128xi32, #tpu.memory_space<vmem>>, vector<16xi32>,
      %get3A_404 = arith.constant 0 : i32
      %get3A_405 = arith.constant 1 : i32
      %get3A_406 = arith.index_cast %get3A_404 : i32 to index
      %get3A_407 = arith.index_cast %get3A_405 : i32 to index
      %get3A_408 = arith.constant 32 : index
      %get3A_409 = tpu.vector_load %arg5[%get3A_406, %get3A_407, %get3A_408] {strides = array<i32>} : memref<4x2x128xi32, #tpu.memory_space<vmem>>, vector<1x1x16xi32>,
      %get3A_410 = vector.shape_cast %get3A_409 : vector<1x1x16xi32> to vector<16xi32>
      %select_n3A_411 = arith.select %lt3A_378, %get3A_410, %broadcast_in_dim3A_379 : vector<16xi32>
      %swap3A_412 = arith.constant 32 : index
      %swap3A_413 = tpu.vector_load %arg8[%swap3A_412] {strides = array<i32>} : memref<128xi32, #tpu.memory_space<vmem>>, vector<16xi32>,
      %swap3A_414 = vector.shape_cast %swap3A_413 : vector<16xi32> to vector<16xi32>
      %swap3A_415 = vector.shape_cast %select_n3A_411 : vector<16xi32> to vector<16xi32>
      tpu.vector_store %arg8[%swap3A_412], %swap3A_415 {strides = array<i32>} : memref<128xi32, #tpu.memory_space<vmem>>, vector<16xi32>,
      %get3A_416 = arith.constant 0 : i32
      %get3A_417 = arith.constant 1 : i32
      %get3A_418 = arith.index_cast %get3A_416 : i32 to index
      %get3A_419 = arith.index_cast %get3A_417 : i32 to index
      %get3A_420 = arith.constant 48 : index
      %get3A_421 = tpu.vector_load %arg5[%get3A_418, %get3A_419, %get3A_420] {strides = array<i32>} : memref<4x2x128xi32, #tpu.memory_space<vmem>>, vector<1x1x16xi32>,
      %get3A_422 = vector.shape_cast %get3A_421 : vector<1x1x16xi32> to vector<16xi32>
      %select_n3A_423 = arith.select %lt3A_378, %get3A_422, %broadcast_in_dim3A_379 : vector<16xi32>
      %swap3A_424 = arith.constant 48 : index
      %swap3A_425 = tpu.vector_load %arg8[%swap3A_424] {strides = array<i32>} : memref<128xi32, #tpu.memory_space<vmem>>, vector<16xi32>,
      %swap3A_426 = vector.shape_cast %swap3A_425 : vector<16xi32> to vector<16xi32>
      %swap3A_427 = vector.shape_cast %select_n3A_423 : vector<16xi32> to vector<16xi32>
      tpu.vector_store %arg8[%swap3A_424], %swap3A_427 {strides = array<i32>} : memref<128xi32, #tpu.memory_space<vmem>>, vector<16xi32>,
      %get3A_428 = arith.constant 0 : i32
      %get3A_429 = arith.constant 1 : i32
      %get3A_430 = arith.index_cast %get3A_428 : i32 to index
      %get3A_431 = arith.index_cast %get3A_429 : i32 to index
      %get3A_432 = arith.constant 64 : index
      %get3A_433 = tpu.vector_load %arg5[%get3A_430, %get3A_431, %get3A_432] {strides = array<i32>} : memref<4x2x128xi32, #tpu.memory_space<vmem>>, vector<1x1x16xi32>,
      %get3A_434 = vector.shape_cast %get3A_433 : vector<1x1x16xi32> to vector<16xi32>
      %select_n3A_435 = arith.select %lt3A_378, %get3A_434, %broadcast_in_dim3A_379 : vector<16xi32>
      %swap3A_436 = arith.constant 64 : index
      %swap3A_437 = tpu.vector_load %arg8[%swap3A_436] {strides = array<i32>} : memref<128xi32, #tpu.memory_space<vmem>>, vector<16xi32>,
      %swap3A_438 = vector.shape_cast %swap3A_437 : vector<16xi32> to vector<16xi32>
      %swap3A_439 = vector.shape_cast %select_n3A_435 : vector<16xi32> to vector<16xi32>
      tpu.vector_store %arg8[%swap3A_436], %swap3A_439 {strides = array<i32>} : memref<128xi32, #tpu.memory_space<vmem>>, vector<16xi32>,
      %get3A_440 = arith.constant 0 : i32
      %get3A_441 = arith.constant 1 : i32
      %get3A_442 = arith.index_cast %get3A_440 : i32 to index
      %get3A_443 = arith.index_cast %get3A_441 : i32 to index
      %get3A_444 = arith.constant 80 : index
      %get3A_445 = tpu.vector_load %arg5[%get3A_442, %get3A_443, %get3A_444] {strides = array<i32>} : memref<4x2x128xi32, #tpu.memory_space<vmem>>, vector<1x1x16xi32>,
      %get3A_446 = vector.shape_cast %get3A_445 : vector<1x1x16xi32> to vector<16xi32>
      %select_n3A_447 = arith.select %lt3A_378, %get3A_446, %broadcast_in_dim3A_379 : vector<16xi32>
      %swap3A_448 = arith.constant 80 : index
      %swap3A_449 = tpu.vector_load %arg8[%swap3A_448] {strides = array<i32>} : memref<128xi32, #tpu.memory_space<vmem>>, vector<16xi32>,
      %swap3A_450 = vector.shape_cast %swap3A_449 : vector<16xi32> to vector<16xi32>
      %swap3A_451 = vector.shape_cast %select_n3A_447 : vector<16xi32> to vector<16xi32>
      tpu.vector_store %arg8[%swap3A_448], %swap3A_451 {strides = array<i32>} : memref<128xi32, #tpu.memory_space<vmem>>, vector<16xi32>,
      %get3A_452 = arith.constant 0 : i32
      %get3A_453 = arith.constant 1 : i32
      %get3A_454 = arith.index_cast %get3A_452 : i32 to index
      %get3A_455 = arith.index_cast %get3A_453 : i32 to index
      %get3A_456 = arith.constant 96 : index
      %get3A_457 = tpu.vector_load %arg5[%get3A_454, %get3A_455, %get3A_456] {strides = array<i32>} : memref<4x2x128xi32, #tpu.memory_space<vmem>>, vector<1x1x16xi32>,
      %get3A_458 = vector.shape_cast %get3A_457 : vector<1x1x16xi32> to vector<16xi32>
      %select_n3A_459 = arith.select %lt3A_378, %get3A_458, %broadcast_in_dim3A_379 : vector<16xi32>
      %swap3A_460 = arith.constant 96 : index
      %swap3A_461 = tpu.vector_load %arg8[%swap3A_460] {strides = array<i32>} : memref<128xi32, #tpu.memory_space<vmem>>, vector<16xi32>,
      %swap3A_462 = vector.shape_cast %swap3A_461 : vector<16xi32> to vector<16xi32>
      %swap3A_463 = vector.shape_cast %select_n3A_459 : vector<16xi32> to vector<16xi32>
      tpu.vector_store %arg8[%swap3A_460], %swap3A_463 {strides = array<i32>} : memref<128xi32, #tpu.memory_space<vmem>>, vector<16xi32>,
      %get3A_464 = arith.constant 0 : i32
      %get3A_465 = arith.constant 1 : i32
      %get3A_466 = arith.index_cast %get3A_464 : i32 to index
      %get3A_467 = arith.index_cast %get3A_465 : i32 to index
      %get3A_468 = arith.constant 112 : index
      %get3A_469 = tpu.vector_load %arg5[%get3A_466, %get3A_467, %get3A_468] {strides = array<i32>} : memref<4x2x128xi32, #tpu.memory_space<vmem>>, vector<1x1x16xi32>,
      %get3A_470 = vector.shape_cast %get3A_469 : vector<1x1x16xi32> to vector<16xi32>
      %select_n3A_471 = arith.select %lt3A_378, %get3A_470, %broadcast_in_dim3A_379 : vector<16xi32>
      %swap3A_472 = arith.constant 112 : index
      %swap3A_473 = tpu.vector_load %arg8[%swap3A_472] {strides = array<i32>} : memref<128xi32, #tpu.memory_space<vmem>>, vector<16xi32>,
      %swap3A_474 = vector.shape_cast %swap3A_473 : vector<16xi32> to vector<16xi32>
      %swap3A_475 = vector.shape_cast %select_n3A_471 : vector<16xi32> to vector<16xi32>
      tpu.vector_store %arg8[%swap3A_472], %swap3A_475 {strides = array<i32>} : memref<128xi32, #tpu.memory_space<vmem>>, vector<16xi32>,
      "tpu.region"() ({
        %run_scoped3A = tpu.sem_alloc : memref<!tpu.dma_semaphore, #tpu.memory_space<semaphore_mem>>
        %dma_start3A_1289 = arith.constant 0 : i32
        %dma_start3A_1290 = arith.constant 0 : i32
        %dma_start3A_1291 = tpu.memref_slice %arg11[%dma_start3A_1289, %dma_start3A_1290] : memref<10008x128xf32, #tpu.memory_space<vmem_shared>> -> memref<10008x128xf32, #tpu.memory_space<vmem_shared>>
        tpu.enqueue_indirect_dma source(%arg9 : memref<128x128xf32, #tpu.memory_space<vmem>>) target(%dma_start3A_1291 : memref<10008x128xf32, #tpu.memory_space<vmem_shared>>) offsets(%arg8 : memref<128xi32, #tpu.memory_space<vmem>>) semaphore(%run_scoped3A : memref<!tpu.dma_semaphore, #tpu.memory_space<semaphore_mem>>) {add = true}
        %dma_wait3A_1292 = arith.constant 0 : i32
        %dma_wait3A_1293 = arith.constant 0 : i32
        %dma_wait3A_1294 = tpu.memref_slice %arg11[%dma_wait3A_1292, %dma_wait3A_1293] : memref<10008x128xf32, #tpu.memory_space<vmem_shared>> -> memref<10008x128xf32, #tpu.memory_space<vmem_shared>>
        tpu.wait_indirect_dma semaphore(%run_scoped3A : memref<!tpu.dma_semaphore, #tpu.memory_space<semaphore_mem>>) src(%arg9 : memref<128x128xf32, #tpu.memory_space<vmem>>) dst(%dma_wait3A_1294 : memref<10008x128xf32, #tpu.memory_space<vmem_shared>>)
        tpu.yield
      }) : () -> ()
      %add3A_476 = arith.constant 4 : i32
      %add3A_477 = arith.addi %add3A_374, %add3A_476 : i32
      %add3A_478 = arith.addi %add3A_4, %add3A_477 : i32
      %mul3A_479 = arith.constant 128 : i32
      %mul3A_480 = arith.muli %add3A_478, %mul3A_479 : i32
      %multiple_of3A_481 = tpu.assume_multiple %mul3A_480, 128 : i32
      %dma_start3A_482 = arith.constant 0 : i32
      %dma_start3A_483 = arith.constant 0 : i32
      %dma_start3A_484 = arith.constant 0 : i32
      %dma_start3A_485 = tpu.memref_slice %arg5[%dma_start3A_482, %dma_start3A_483, %dma_start3A_484] : memref<4x2x128xi32, #tpu.memory_space<vmem>> -> memref<1x2x128xi32, #tpu.memory_space<vmem>>
      %dma_start3A_486 = tpu.memref_squeeze %dma_start3A_485 : memref<1x2x128xi32, #tpu.memory_space<vmem>> -> memref<2x128xi32, #tpu.memory_space<vmem>>
      %dma_start3A_487 = arith.constant 0 : i32
      %dma_start3A_488 = tpu.memref_slice %arg2[%dma_start3A_487, %multiple_of3A_481] : memref<2x320768xi32, #tpu.memory_space<hbm>> -> memref<2x128xi32, #tpu.memory_space<hbm>>
      %dma_start3A_489 = arith.constant 0 : i32
      %dma_start3A_490 = arith.constant 0 : i32
      %dma_start3A_491 = tpu.memref_slice %arg5[%dma_start3A_482, %dma_start3A_489, %dma_start3A_490] : memref<4x2x128xi32, #tpu.memory_space<vmem>> -> memref<1x2x128xi32, #tpu.memory_space<vmem>>
      %dma_start3A_492 = tpu.memref_squeeze %dma_start3A_491 : memref<1x2x128xi32, #tpu.memory_space<vmem>> -> memref<2x128xi32, #tpu.memory_space<vmem>>
      %dma_start3A_493 = arith.constant 0 : i32
      %dma_start3A_494 = tpu.memref_slice %arg2[%dma_start3A_493, %multiple_of3A_481] : memref<2x320768xi32, #tpu.memory_space<hbm>> -> memref<2x128xi32, #tpu.memory_space<hbm>>
      tpu.enqueue_dma source(%dma_start3A_494 : memref<2x128xi32, #tpu.memory_space<hbm>>) target(%dma_start3A_492 : memref<2x128xi32, #tpu.memory_space<vmem>>) target_semaphore(%arg14 : memref<!tpu.dma_semaphore, #tpu.memory_space<semaphore_mem>>)
      %dma_wait3A_495 = arith.constant 2 : i32
      %dma_wait3A_496 = arith.constant 0 : i32
      %dma_wait3A_497 = arith.constant 0 : i32
      %dma_wait3A_498 = tpu.memref_slice %arg5[%dma_wait3A_495, %dma_wait3A_496, %dma_wait3A_497] : memref<4x2x128xi32, #tpu.memory_space<vmem>> -> memref<1x2x128xi32, #tpu.memory_space<vmem>>
      %dma_wait3A_499 = tpu.memref_squeeze %dma_wait3A_498 : memref<1x2x128xi32, #tpu.memory_space<vmem>> -> memref<2x128xi32, #tpu.memory_space<vmem>>
      %dma_wait3A_500 = arith.constant 0 : i32
      %dma_wait3A_501 = arith.constant 0 : i32
      %dma_wait3A_502 = tpu.memref_slice %arg2[%dma_wait3A_500, %dma_wait3A_501] : memref<2x320768xi32, #tpu.memory_space<hbm>> -> memref<2x128xi32, #tpu.memory_space<hbm>>
      %dma_wait3A_503 = arith.constant 0 : i32
      %dma_wait3A_504 = arith.constant 0 : i32
      %dma_wait3A_505 = tpu.memref_slice %arg5[%dma_wait3A_495, %dma_wait3A_503, %dma_wait3A_504] : memref<4x2x128xi32, #tpu.memory_space<vmem>> -> memref<1x2x128xi32, #tpu.memory_space<vmem>>
      %dma_wait3A_506 = tpu.memref_squeeze %dma_wait3A_505 : memref<1x2x128xi32, #tpu.memory_space<vmem>> -> memref<2x128xi32, #tpu.memory_space<vmem>>
      %dma_wait3A_507 = arith.constant 0 : i32
      %dma_wait3A_508 = arith.constant 0 : i32
      %dma_wait3A_509 = tpu.memref_slice %arg2[%dma_wait3A_507, %dma_wait3A_508] : memref<2x320768xi32, #tpu.memory_space<hbm>> -> memref<2x128xi32, #tpu.memory_space<hbm>>
      tpu.wait_dma2 semaphore(%arg16 : memref<!tpu.dma_semaphore, #tpu.memory_space<semaphore_mem>>) src(%dma_wait3A_509 : memref<2x128xi32, #tpu.memory_space<hbm>>) dst(%dma_wait3A_506 : memref<2x128xi32, #tpu.memory_space<vmem>>)
      %get3A_510 = arith.constant 2 : i32
      %get3A_511 = arith.constant 0 : i32
      %get3A_512 = arith.index_cast %get3A_510 : i32 to index
      %get3A_513 = arith.index_cast %get3A_511 : i32 to index
      %get3A_514 = arith.constant 0 : index
      %get3A_515 = tpu.vector_load %arg5[%get3A_512, %get3A_513, %get3A_514] {strides = array<i32>} : memref<4x2x128xi32, #tpu.memory_space<vmem>>, vector<1x1x16xi32>,
      %get3A_516 = vector.shape_cast %get3A_515 : vector<1x1x16xi32> to vector<16xi32>
      %swap3A_517 = arith.constant 0 : index
      %swap3A_518 = tpu.vector_load %arg6[%swap3A_517] {strides = array<i32>} : memref<128xi32, #tpu.memory_space<vmem>>, vector<16xi32>,
      %swap3A_519 = vector.shape_cast %swap3A_518 : vector<16xi32> to vector<16xi32>
      %swap3A_520 = vector.shape_cast %get3A_516 : vector<16xi32> to vector<16xi32>
      tpu.vector_store %arg6[%swap3A_517], %swap3A_520 {strides = array<i32>} : memref<128xi32, #tpu.memory_space<vmem>>, vector<16xi32>,
      %get3A_521 = arith.constant 2 : i32
      %get3A_522 = arith.constant 0 : i32
      %get3A_523 = arith.index_cast %get3A_521 : i32 to index
      %get3A_524 = arith.index_cast %get3A_522 : i32 to index
      %get3A_525 = arith.constant 16 : index
      %get3A_526 = tpu.vector_load %arg5[%get3A_523, %get3A_524, %get3A_525] {strides = array<i32>} : memref<4x2x128xi32, #tpu.memory_space<vmem>>, vector<1x1x16xi32>,
      %get3A_527 = vector.shape_cast %get3A_526 : vector<1x1x16xi32> to vector<16xi32>
      %swap3A_528 = arith.constant 16 : index
      %swap3A_529 = tpu.vector_load %arg6[%swap3A_528] {strides = array<i32>} : memref<128xi32, #tpu.memory_space<vmem>>, vector<16xi32>,
      %swap3A_530 = vector.shape_cast %swap3A_529 : vector<16xi32> to vector<16xi32>
      %swap3A_531 = vector.shape_cast %get3A_527 : vector<16xi32> to vector<16xi32>
      tpu.vector_store %arg6[%swap3A_528], %swap3A_531 {strides = array<i32>} : memref<128xi32, #tpu.memory_space<vmem>>, vector<16xi32>,
      %get3A_532 = arith.constant 2 : i32
      %get3A_533 = arith.constant 0 : i32
      %get3A_534 = arith.index_cast %get3A_532 : i32 to index
      %get3A_535 = arith.index_cast %get3A_533 : i32 to index
      %get3A_536 = arith.constant 32 : index
      %get3A_537 = tpu.vector_load %arg5[%get3A_534, %get3A_535, %get3A_536] {strides = array<i32>} : memref<4x2x128xi32, #tpu.memory_space<vmem>>, vector<1x1x16xi32>,
      %get3A_538 = vector.shape_cast %get3A_537 : vector<1x1x16xi32> to vector<16xi32>
      %swap3A_539 = arith.constant 32 : index
      %swap3A_540 = tpu.vector_load %arg6[%swap3A_539] {strides = array<i32>} : memref<128xi32, #tpu.memory_space<vmem>>, vector<16xi32>,
      %swap3A_541 = vector.shape_cast %swap3A_540 : vector<16xi32> to vector<16xi32>
      %swap3A_542 = vector.shape_cast %get3A_538 : vector<16xi32> to vector<16xi32>
      tpu.vector_store %arg6[%swap3A_539], %swap3A_542 {strides = array<i32>} : memref<128xi32, #tpu.memory_space<vmem>>, vector<16xi32>,
      %get3A_543 = arith.constant 2 : i32
      %get3A_544 = arith.constant 0 : i32
      %get3A_545 = arith.index_cast %get3A_543 : i32 to index
      %get3A_546 = arith.index_cast %get3A_544 : i32 to index
      %get3A_547 = arith.constant 48 : index
      %get3A_548 = tpu.vector_load %arg5[%get3A_545, %get3A_546, %get3A_547] {strides = array<i32>} : memref<4x2x128xi32, #tpu.memory_space<vmem>>, vector<1x1x16xi32>,
      %get3A_549 = vector.shape_cast %get3A_548 : vector<1x1x16xi32> to vector<16xi32>
      %swap3A_550 = arith.constant 48 : index
      %swap3A_551 = tpu.vector_load %arg6[%swap3A_550] {strides = array<i32>} : memref<128xi32, #tpu.memory_space<vmem>>, vector<16xi32>,
      %swap3A_552 = vector.shape_cast %swap3A_551 : vector<16xi32> to vector<16xi32>
      %swap3A_553 = vector.shape_cast %get3A_549 : vector<16xi32> to vector<16xi32>
      tpu.vector_store %arg6[%swap3A_550], %swap3A_553 {strides = array<i32>} : memref<128xi32, #tpu.memory_space<vmem>>, vector<16xi32>,
      %get3A_554 = arith.constant 2 : i32
      %get3A_555 = arith.constant 0 : i32
      %get3A_556 = arith.index_cast %get3A_554 : i32 to index
      %get3A_557 = arith.index_cast %get3A_555 : i32 to index
      %get3A_558 = arith.constant 64 : index
      %get3A_559 = tpu.vector_load %arg5[%get3A_556, %get3A_557, %get3A_558] {strides = array<i32>} : memref<4x2x128xi32, #tpu.memory_space<vmem>>, vector<1x1x16xi32>,
      %get3A_560 = vector.shape_cast %get3A_559 : vector<1x1x16xi32> to vector<16xi32>
      %swap3A_561 = arith.constant 64 : index
      %swap3A_562 = tpu.vector_load %arg6[%swap3A_561] {strides = array<i32>} : memref<128xi32, #tpu.memory_space<vmem>>, vector<16xi32>,
      %swap3A_563 = vector.shape_cast %swap3A_562 : vector<16xi32> to vector<16xi32>
      %swap3A_564 = vector.shape_cast %get3A_560 : vector<16xi32> to vector<16xi32>
      tpu.vector_store %arg6[%swap3A_561], %swap3A_564 {strides = array<i32>} : memref<128xi32, #tpu.memory_space<vmem>>, vector<16xi32>,
      %get3A_565 = arith.constant 2 : i32
      %get3A_566 = arith.constant 0 : i32
      %get3A_567 = arith.index_cast %get3A_565 : i32 to index
      %get3A_568 = arith.index_cast %get3A_566 : i32 to index
      %get3A_569 = arith.constant 80 : index
      %get3A_570 = tpu.vector_load %arg5[%get3A_567, %get3A_568, %get3A_569] {strides = array<i32>} : memref<4x2x128xi32, #tpu.memory_space<vmem>>, vector<1x1x16xi32>,
      %get3A_571 = vector.shape_cast %get3A_570 : vector<1x1x16xi32> to vector<16xi32>
      %swap3A_572 = arith.constant 80 : index
      %swap3A_573 = tpu.vector_load %arg6[%swap3A_572] {strides = array<i32>} : memref<128xi32, #tpu.memory_space<vmem>>, vector<16xi32>,
      %swap3A_574 = vector.shape_cast %swap3A_573 : vector<16xi32> to vector<16xi32>
      %swap3A_575 = vector.shape_cast %get3A_571 : vector<16xi32> to vector<16xi32>
      tpu.vector_store %arg6[%swap3A_572], %swap3A_575 {strides = array<i32>} : memref<128xi32, #tpu.memory_space<vmem>>, vector<16xi32>,
      %get3A_576 = arith.constant 2 : i32
      %get3A_577 = arith.constant 0 : i32
      %get3A_578 = arith.index_cast %get3A_576 : i32 to index
      %get3A_579 = arith.index_cast %get3A_577 : i32 to index
      %get3A_580 = arith.constant 96 : index
      %get3A_581 = tpu.vector_load %arg5[%get3A_578, %get3A_579, %get3A_580] {strides = array<i32>} : memref<4x2x128xi32, #tpu.memory_space<vmem>>, vector<1x1x16xi32>,
      %get3A_582 = vector.shape_cast %get3A_581 : vector<1x1x16xi32> to vector<16xi32>
      %swap3A_583 = arith.constant 96 : index
      %swap3A_584 = tpu.vector_load %arg6[%swap3A_583] {strides = array<i32>} : memref<128xi32, #tpu.memory_space<vmem>>, vector<16xi32>,
      %swap3A_585 = vector.shape_cast %swap3A_584 : vector<16xi32> to vector<16xi32>
      %swap3A_586 = vector.shape_cast %get3A_582 : vector<16xi32> to vector<16xi32>
      tpu.vector_store %arg6[%swap3A_583], %swap3A_586 {strides = array<i32>} : memref<128xi32, #tpu.memory_space<vmem>>, vector<16xi32>,
      %get3A_587 = arith.constant 2 : i32
      %get3A_588 = arith.constant 0 : i32
      %get3A_589 = arith.index_cast %get3A_587 : i32 to index
      %get3A_590 = arith.index_cast %get3A_588 : i32 to index
      %get3A_591 = arith.constant 112 : index
      %get3A_592 = tpu.vector_load %arg5[%get3A_589, %get3A_590, %get3A_591] {strides = array<i32>} : memref<4x2x128xi32, #tpu.memory_space<vmem>>, vector<1x1x16xi32>,
      %get3A_593 = vector.shape_cast %get3A_592 : vector<1x1x16xi32> to vector<16xi32>
      %swap3A_594 = arith.constant 112 : index
      %swap3A_595 = tpu.vector_load %arg6[%swap3A_594] {strides = array<i32>} : memref<128xi32, #tpu.memory_space<vmem>>, vector<16xi32>,
      %swap3A_596 = vector.shape_cast %swap3A_595 : vector<16xi32> to vector<16xi32>
      %swap3A_597 = vector.shape_cast %get3A_593 : vector<16xi32> to vector<16xi32>
      tpu.vector_store %arg6[%swap3A_594], %swap3A_597 {strides = array<i32>} : memref<128xi32, #tpu.memory_space<vmem>>, vector<16xi32>,
      %dma_start3A_598 = arith.constant 0 : i32
      %dma_start3A_599 = arith.constant 0 : i32
      %dma_start3A_600 = tpu.memref_slice %arg3[%dma_start3A_598, %dma_start3A_599] : memref<10000x128xf32, #tpu.memory_space<hbm>> -> memref<10000x128xf32, #tpu.memory_space<hbm>>
      tpu.enqueue_indirect_dma source(%dma_start3A_600 : memref<10000x128xf32, #tpu.memory_space<hbm>>) target(%arg9 : memref<128x128xf32, #tpu.memory_space<vmem>>) offsets(%arg6 : memref<128xi32, #tpu.memory_space<vmem>>) semaphore(%arg12 : memref<!tpu.dma_semaphore, #tpu.memory_space<semaphore_mem>>)
      %add3A_601 = arith.constant 1 : i32
      %add3A_602 = arith.addi %mul3A_372, %add3A_601 : i32
      %dma_wait3A_603 = arith.constant 0 : i32
      %dma_wait3A_604 = arith.constant 0 : i32
      %dma_wait3A_605 = tpu.memref_slice %arg3[%dma_wait3A_603, %dma_wait3A_604] : memref<10000x128xf32, #tpu.memory_space<hbm>> -> memref<10000x128xf32, #tpu.memory_space<hbm>>
      tpu.wait_indirect_dma semaphore(%arg13 : memref<!tpu.dma_semaphore, #tpu.memory_space<semaphore_mem>>) src(%dma_wait3A_605 : memref<10000x128xf32, #tpu.memory_space<hbm>>) dst(%arg10 : memref<128x128xf32, #tpu.memory_space<vmem>>)
      %lt3A_606 = arith.cmpi slt, %add3A_602, %add3A_8 : i32
      %broadcast_in_dim3A_607 = arith.constant 10000 : i32
      %broadcast_in_dim3A_608 = vector.broadcast %broadcast_in_dim3A_607 : i32 to vector<16xi32>
      %get3A_609 = arith.constant 1 : i32
      %get3A_610 = arith.constant 1 : i32
      %get3A_611 = arith.index_cast %get3A_609 : i32 to index
      %get3A_612 = arith.index_cast %get3A_610 : i32 to index
      %get3A_613 = arith.constant 0 : index
      %get3A_614 = tpu.vector_load %arg5[%get3A_611, %get3A_612, %get3A_613] {strides = array<i32>} : memref<4x2x128xi32, #tpu.memory_space<vmem>>, vector<1x1x16xi32>,
      %get3A_615 = vector.shape_cast %get3A_614 : vector<1x1x16xi32> to vector<16xi32>
      %select_n3A_616 = arith.select %lt3A_606, %get3A_615, %broadcast_in_dim3A_608 : vector<16xi32>
      %swap3A_617 = arith.constant 0 : index
      %swap3A_618 = tpu.vector_load %arg8[%swap3A_617] {strides = array<i32>} : memref<128xi32, #tpu.memory_space<vmem>>, vector<16xi32>,
      %swap3A_619 = vector.shape_cast %swap3A_618 : vector<16xi32> to vector<16xi32>
      %swap3A_620 = vector.shape_cast %select_n3A_616 : vector<16xi32> to vector<16xi32>
      tpu.vector_store %arg8[%swap3A_617], %swap3A_620 {strides = array<i32>} : memref<128xi32, #tpu.memory_space<vmem>>, vector<16xi32>,
      %get3A_621 = arith.constant 1 : i32
      %get3A_622 = arith.constant 1 : i32
      %get3A_623 = arith.index_cast %get3A_621 : i32 to index
      %get3A_624 = arith.index_cast %get3A_622 : i32 to index
      %get3A_625 = arith.constant 16 : index
      %get3A_626 = tpu.vector_load %arg5[%get3A_623, %get3A_624, %get3A_625] {strides = array<i32>} : memref<4x2x128xi32, #tpu.memory_space<vmem>>, vector<1x1x16xi32>,
      %get3A_627 = vector.shape_cast %get3A_626 : vector<1x1x16xi32> to vector<16xi32>
      %select_n3A_628 = arith.select %lt3A_606, %get3A_627, %broadcast_in_dim3A_608 : vector<16xi32>
      %swap3A_629 = arith.constant 16 : index
      %swap3A_630 = tpu.vector_load %arg8[%swap3A_629] {strides = array<i32>} : memref<128xi32, #tpu.memory_space<vmem>>, vector<16xi32>,
      %swap3A_631 = vector.shape_cast %swap3A_630 : vector<16xi32> to vector<16xi32>
      %swap3A_632 = vector.shape_cast %select_n3A_628 : vector<16xi32> to vector<16xi32>
      tpu.vector_store %arg8[%swap3A_629], %swap3A_632 {strides = array<i32>} : memref<128xi32, #tpu.memory_space<vmem>>, vector<16xi32>,
      %get3A_633 = arith.constant 1 : i32
      %get3A_634 = arith.constant 1 : i32
      %get3A_635 = arith.index_cast %get3A_633 : i32 to index
      %get3A_636 = arith.index_cast %get3A_634 : i32 to index
      %get3A_637 = arith.constant 32 : index
      %get3A_638 = tpu.vector_load %arg5[%get3A_635, %get3A_636, %get3A_637] {strides = array<i32>} : memref<4x2x128xi32, #tpu.memory_space<vmem>>, vector<1x1x16xi32>,
      %get3A_639 = vector.shape_cast %get3A_638 : vector<1x1x16xi32> to vector<16xi32>
      %select_n3A_640 = arith.select %lt3A_606, %get3A_639, %broadcast_in_dim3A_608 : vector<16xi32>
      %swap3A_641 = arith.constant 32 : index
      %swap3A_642 = tpu.vector_load %arg8[%swap3A_641] {strides = array<i32>} : memref<128xi32, #tpu.memory_space<vmem>>, vector<16xi32>,
      %swap3A_643 = vector.shape_cast %swap3A_642 : vector<16xi32> to vector<16xi32>
      %swap3A_644 = vector.shape_cast %select_n3A_640 : vector<16xi32> to vector<16xi32>
      tpu.vector_store %arg8[%swap3A_641], %swap3A_644 {strides = array<i32>} : memref<128xi32, #tpu.memory_space<vmem>>, vector<16xi32>,
      %get3A_645 = arith.constant 1 : i32
      %get3A_646 = arith.constant 1 : i32
      %get3A_647 = arith.index_cast %get3A_645 : i32 to index
      %get3A_648 = arith.index_cast %get3A_646 : i32 to index
      %get3A_649 = arith.constant 48 : index
      %get3A_650 = tpu.vector_load %arg5[%get3A_647, %get3A_648, %get3A_649] {strides = array<i32>} : memref<4x2x128xi32, #tpu.memory_space<vmem>>, vector<1x1x16xi32>,
      %get3A_651 = vector.shape_cast %get3A_650 : vector<1x1x16xi32> to vector<16xi32>
      %select_n3A_652 = arith.select %lt3A_606, %get3A_651, %broadcast_in_dim3A_608 : vector<16xi32>
      %swap3A_653 = arith.constant 48 : index
      %swap3A_654 = tpu.vector_load %arg8[%swap3A_653] {strides = array<i32>} : memref<128xi32, #tpu.memory_space<vmem>>, vector<16xi32>,
      %swap3A_655 = vector.shape_cast %swap3A_654 : vector<16xi32> to vector<16xi32>
      %swap3A_656 = vector.shape_cast %select_n3A_652 : vector<16xi32> to vector<16xi32>
      tpu.vector_store %arg8[%swap3A_653], %swap3A_656 {strides = array<i32>} : memref<128xi32, #tpu.memory_space<vmem>>, vector<16xi32>,
      %get3A_657 = arith.constant 1 : i32
      %get3A_658 = arith.constant 1 : i32
      %get3A_659 = arith.index_cast %get3A_657 : i32 to index
      %get3A_660 = arith.index_cast %get3A_658 : i32 to index
      %get3A_661 = arith.constant 64 : index
      %get3A_662 = tpu.vector_load %arg5[%get3A_659, %get3A_660, %get3A_661] {strides = array<i32>} : memref<4x2x128xi32, #tpu.memory_space<vmem>>, vector<1x1x16xi32>,
      %get3A_663 = vector.shape_cast %get3A_662 : vector<1x1x16xi32> to vector<16xi32>
      %select_n3A_664 = arith.select %lt3A_606, %get3A_663, %broadcast_in_dim3A_608 : vector<16xi32>
      %swap3A_665 = arith.constant 64 : index
      %swap3A_666 = tpu.vector_load %arg8[%swap3A_665] {strides = array<i32>} : memref<128xi32, #tpu.memory_space<vmem>>, vector<16xi32>,
      %swap3A_667 = vector.shape_cast %swap3A_666 : vector<16xi32> to vector<16xi32>
      %swap3A_668 = vector.shape_cast %select_n3A_664 : vector<16xi32> to vector<16xi32>
      tpu.vector_store %arg8[%swap3A_665], %swap3A_668 {strides = array<i32>} : memref<128xi32, #tpu.memory_space<vmem>>, vector<16xi32>,
      %get3A_669 = arith.constant 1 : i32
      %get3A_670 = arith.constant 1 : i32
      %get3A_671 = arith.index_cast %get3A_669 : i32 to index
      %get3A_672 = arith.index_cast %get3A_670 : i32 to index
      %get3A_673 = arith.constant 80 : index
      %get3A_674 = tpu.vector_load %arg5[%get3A_671, %get3A_672, %get3A_673] {strides = array<i32>} : memref<4x2x128xi32, #tpu.memory_space<vmem>>, vector<1x1x16xi32>,
      %get3A_675 = vector.shape_cast %get3A_674 : vector<1x1x16xi32> to vector<16xi32>
      %select_n3A_676 = arith.select %lt3A_606, %get3A_675, %broadcast_in_dim3A_608 : vector<16xi32>
      %swap3A_677 = arith.constant 80 : index
      %swap3A_678 = tpu.vector_load %arg8[%swap3A_677] {strides = array<i32>} : memref<128xi32, #tpu.memory_space<vmem>>, vector<16xi32>,
      %swap3A_679 = vector.shape_cast %swap3A_678 : vector<16xi32> to vector<16xi32>
      %swap3A_680 = vector.shape_cast %select_n3A_676 : vector<16xi32> to vector<16xi32>
      tpu.vector_store %arg8[%swap3A_677], %swap3A_680 {strides = array<i32>} : memref<128xi32, #tpu.memory_space<vmem>>, vector<16xi32>,
      %get3A_681 = arith.constant 1 : i32
      %get3A_682 = arith.constant 1 : i32
      %get3A_683 = arith.index_cast %get3A_681 : i32 to index
      %get3A_684 = arith.index_cast %get3A_682 : i32 to index
      %get3A_685 = arith.constant 96 : index
      %get3A_686 = tpu.vector_load %arg5[%get3A_683, %get3A_684, %get3A_685] {strides = array<i32>} : memref<4x2x128xi32, #tpu.memory_space<vmem>>, vector<1x1x16xi32>,
      %get3A_687 = vector.shape_cast %get3A_686 : vector<1x1x16xi32> to vector<16xi32>
      %select_n3A_688 = arith.select %lt3A_606, %get3A_687, %broadcast_in_dim3A_608 : vector<16xi32>
      %swap3A_689 = arith.constant 96 : index
      %swap3A_690 = tpu.vector_load %arg8[%swap3A_689] {strides = array<i32>} : memref<128xi32, #tpu.memory_space<vmem>>, vector<16xi32>,
      %swap3A_691 = vector.shape_cast %swap3A_690 : vector<16xi32> to vector<16xi32>
      %swap3A_692 = vector.shape_cast %select_n3A_688 : vector<16xi32> to vector<16xi32>
      tpu.vector_store %arg8[%swap3A_689], %swap3A_692 {strides = array<i32>} : memref<128xi32, #tpu.memory_space<vmem>>, vector<16xi32>,
      %get3A_693 = arith.constant 1 : i32
      %get3A_694 = arith.constant 1 : i32
      %get3A_695 = arith.index_cast %get3A_693 : i32 to index
      %get3A_696 = arith.index_cast %get3A_694 : i32 to index
      %get3A_697 = arith.constant 112 : index
      %get3A_698 = tpu.vector_load %arg5[%get3A_695, %get3A_696, %get3A_697] {strides = array<i32>} : memref<4x2x128xi32, #tpu.memory_space<vmem>>, vector<1x1x16xi32>,
      %get3A_699 = vector.shape_cast %get3A_698 : vector<1x1x16xi32> to vector<16xi32>
      %select_n3A_700 = arith.select %lt3A_606, %get3A_699, %broadcast_in_dim3A_608 : vector<16xi32>
      %swap3A_701 = arith.constant 112 : index
      %swap3A_702 = tpu.vector_load %arg8[%swap3A_701] {strides = array<i32>} : memref<128xi32, #tpu.memory_space<vmem>>, vector<16xi32>,
      %swap3A_703 = vector.shape_cast %swap3A_702 : vector<16xi32> to vector<16xi32>
      %swap3A_704 = vector.shape_cast %select_n3A_700 : vector<16xi32> to vector<16xi32>
      tpu.vector_store %arg8[%swap3A_701], %swap3A_704 {strides = array<i32>} : memref<128xi32, #tpu.memory_space<vmem>>, vector<16xi32>,
      "tpu.region"() ({
        %run_scoped3A = tpu.sem_alloc : memref<!tpu.dma_semaphore, #tpu.memory_space<semaphore_mem>>
        %dma_start3A_1289 = arith.constant 0 : i32
        %dma_start3A_1290 = arith.constant 0 : i32
        %dma_start3A_1291 = tpu.memref_slice %arg11[%dma_start3A_1289, %dma_start3A_1290] : memref<10008x128xf32, #tpu.memory_space<vmem_shared>> -> memref<10008x128xf32, #tpu.memory_space<vmem_shared>>
        tpu.enqueue_indirect_dma source(%arg10 : memref<128x128xf32, #tpu.memory_space<vmem>>) target(%dma_start3A_1291 : memref<10008x128xf32, #tpu.memory_space<vmem_shared>>) offsets(%arg8 : memref<128xi32, #tpu.memory_space<vmem>>) semaphore(%run_scoped3A : memref<!tpu.dma_semaphore, #tpu.memory_space<semaphore_mem>>) {add = true}
        %dma_wait3A_1292 = arith.constant 0 : i32
        %dma_wait3A_1293 = arith.constant 0 : i32
        %dma_wait3A_1294 = tpu.memref_slice %arg11[%dma_wait3A_1292, %dma_wait3A_1293] : memref<10008x128xf32, #tpu.memory_space<vmem_shared>> -> memref<10008x128xf32, #tpu.memory_space<vmem_shared>>
        tpu.wait_indirect_dma semaphore(%run_scoped3A : memref<!tpu.dma_semaphore, #tpu.memory_space<semaphore_mem>>) src(%arg10 : memref<128x128xf32, #tpu.memory_space<vmem>>) dst(%dma_wait3A_1294 : memref<10008x128xf32, #tpu.memory_space<vmem_shared>>)
        tpu.yield
      }) : () -> ()
      %add3A_705 = arith.constant 4 : i32
      %add3A_706 = arith.addi %add3A_602, %add3A_705 : i32
      %add3A_707 = arith.addi %add3A_4, %add3A_706 : i32
      %mul3A_708 = arith.constant 128 : i32
      %mul3A_709 = arith.muli %add3A_707, %mul3A_708 : i32
      %multiple_of3A_710 = tpu.assume_multiple %mul3A_709, 128 : i32
      %dma_start3A_711 = arith.constant 1 : i32
      %dma_start3A_712 = arith.constant 0 : i32
      %dma_start3A_713 = arith.constant 0 : i32
      %dma_start3A_714 = tpu.memref_slice %arg5[%dma_start3A_711, %dma_start3A_712, %dma_start3A_713] : memref<4x2x128xi32, #tpu.memory_space<vmem>> -> memref<1x2x128xi32, #tpu.memory_space<vmem>>
      %dma_start3A_715 = tpu.memref_squeeze %dma_start3A_714 : memref<1x2x128xi32, #tpu.memory_space<vmem>> -> memref<2x128xi32, #tpu.memory_space<vmem>>
      %dma_start3A_716 = arith.constant 0 : i32
      %dma_start3A_717 = tpu.memref_slice %arg2[%dma_start3A_716, %multiple_of3A_710] : memref<2x320768xi32, #tpu.memory_space<hbm>> -> memref<2x128xi32, #tpu.memory_space<hbm>>
      %dma_start3A_718 = arith.constant 0 : i32
      %dma_start3A_719 = arith.constant 0 : i32
      %dma_start3A_720 = tpu.memref_slice %arg5[%dma_start3A_711, %dma_start3A_718, %dma_start3A_719] : memref<4x2x128xi32, #tpu.memory_space<vmem>> -> memref<1x2x128xi32, #tpu.memory_space<vmem>>
      %dma_start3A_721 = tpu.memref_squeeze %dma_start3A_720 : memref<1x2x128xi32, #tpu.memory_space<vmem>> -> memref<2x128xi32, #tpu.memory_space<vmem>>
      %dma_start3A_722 = arith.constant 0 : i32
      %dma_start3A_723 = tpu.memref_slice %arg2[%dma_start3A_722, %multiple_of3A_710] : memref<2x320768xi32, #tpu.memory_space<hbm>> -> memref<2x128xi32, #tpu.memory_space<hbm>>
      tpu.enqueue_dma source(%dma_start3A_723 : memref<2x128xi32, #tpu.memory_space<hbm>>) target(%dma_start3A_721 : memref<2x128xi32, #tpu.memory_space<vmem>>) target_semaphore(%arg15 : memref<!tpu.dma_semaphore, #tpu.memory_space<semaphore_mem>>)
      %dma_wait3A_724 = arith.constant 3 : i32
      %dma_wait3A_725 = arith.constant 0 : i32
      %dma_wait3A_726 = arith.constant 0 : i32
      %dma_wait3A_727 = tpu.memref_slice %arg5[%dma_wait3A_724, %dma_wait3A_725, %dma_wait3A_726] : memref<4x2x128xi32, #tpu.memory_space<vmem>> -> memref<1x2x128xi32, #tpu.memory_space<vmem>>
      %dma_wait3A_728 = tpu.memref_squeeze %dma_wait3A_727 : memref<1x2x128xi32, #tpu.memory_space<vmem>> -> memref<2x128xi32, #tpu.memory_space<vmem>>
      %dma_wait3A_729 = arith.constant 0 : i32
      %dma_wait3A_730 = arith.constant 0 : i32
      %dma_wait3A_731 = tpu.memref_slice %arg2[%dma_wait3A_729, %dma_wait3A_730] : memref<2x320768xi32, #tpu.memory_space<hbm>> -> memref<2x128xi32, #tpu.memory_space<hbm>>
      %dma_wait3A_732 = arith.constant 0 : i32
      %dma_wait3A_733 = arith.constant 0 : i32
      %dma_wait3A_734 = tpu.memref_slice %arg5[%dma_wait3A_724, %dma_wait3A_732, %dma_wait3A_733] : memref<4x2x128xi32, #tpu.memory_space<vmem>> -> memref<1x2x128xi32, #tpu.memory_space<vmem>>
      %dma_wait3A_735 = tpu.memref_squeeze %dma_wait3A_734 : memref<1x2x128xi32, #tpu.memory_space<vmem>> -> memref<2x128xi32, #tpu.memory_space<vmem>>
      %dma_wait3A_736 = arith.constant 0 : i32
      %dma_wait3A_737 = arith.constant 0 : i32
      %dma_wait3A_738 = tpu.memref_slice %arg2[%dma_wait3A_736, %dma_wait3A_737] : memref<2x320768xi32, #tpu.memory_space<hbm>> -> memref<2x128xi32, #tpu.memory_space<hbm>>
      tpu.wait_dma2 semaphore(%arg17 : memref<!tpu.dma_semaphore, #tpu.memory_space<semaphore_mem>>) src(%dma_wait3A_738 : memref<2x128xi32, #tpu.memory_space<hbm>>) dst(%dma_wait3A_735 : memref<2x128xi32, #tpu.memory_space<vmem>>)
      %get3A_739 = arith.constant 3 : i32
      %get3A_740 = arith.constant 0 : i32
      %get3A_741 = arith.index_cast %get3A_739 : i32 to index
      %get3A_742 = arith.index_cast %get3A_740 : i32 to index
      %get3A_743 = arith.constant 0 : index
      %get3A_744 = tpu.vector_load %arg5[%get3A_741, %get3A_742, %get3A_743] {strides = array<i32>} : memref<4x2x128xi32, #tpu.memory_space<vmem>>, vector<1x1x16xi32>,
      %get3A_745 = vector.shape_cast %get3A_744 : vector<1x1x16xi32> to vector<16xi32>
      %swap3A_746 = arith.constant 0 : index
      %swap3A_747 = tpu.vector_load %arg7[%swap3A_746] {strides = array<i32>} : memref<128xi32, #tpu.memory_space<vmem>>, vector<16xi32>,
      %swap3A_748 = vector.shape_cast %swap3A_747 : vector<16xi32> to vector<16xi32>
      %swap3A_749 = vector.shape_cast %get3A_745 : vector<16xi32> to vector<16xi32>
      tpu.vector_store %arg7[%swap3A_746], %swap3A_749 {strides = array<i32>} : memref<128xi32, #tpu.memory_space<vmem>>, vector<16xi32>,
      %get3A_750 = arith.constant 3 : i32
      %get3A_751 = arith.constant 0 : i32
      %get3A_752 = arith.index_cast %get3A_750 : i32 to index
      %get3A_753 = arith.index_cast %get3A_751 : i32 to index
      %get3A_754 = arith.constant 16 : index
      %get3A_755 = tpu.vector_load %arg5[%get3A_752, %get3A_753, %get3A_754] {strides = array<i32>} : memref<4x2x128xi32, #tpu.memory_space<vmem>>, vector<1x1x16xi32>,
      %get3A_756 = vector.shape_cast %get3A_755 : vector<1x1x16xi32> to vector<16xi32>
      %swap3A_757 = arith.constant 16 : index
      %swap3A_758 = tpu.vector_load %arg7[%swap3A_757] {strides = array<i32>} : memref<128xi32, #tpu.memory_space<vmem>>, vector<16xi32>,
      %swap3A_759 = vector.shape_cast %swap3A_758 : vector<16xi32> to vector<16xi32>
      %swap3A_760 = vector.shape_cast %get3A_756 : vector<16xi32> to vector<16xi32>
      tpu.vector_store %arg7[%swap3A_757], %swap3A_760 {strides = array<i32>} : memref<128xi32, #tpu.memory_space<vmem>>, vector<16xi32>,
      %get3A_761 = arith.constant 3 : i32
      %get3A_762 = arith.constant 0 : i32
      %get3A_763 = arith.index_cast %get3A_761 : i32 to index
      %get3A_764 = arith.index_cast %get3A_762 : i32 to index
      %get3A_765 = arith.constant 32 : index
      %get3A_766 = tpu.vector_load %arg5[%get3A_763, %get3A_764, %get3A_765] {strides = array<i32>} : memref<4x2x128xi32, #tpu.memory_space<vmem>>, vector<1x1x16xi32>,
      %get3A_767 = vector.shape_cast %get3A_766 : vector<1x1x16xi32> to vector<16xi32>
      %swap3A_768 = arith.constant 32 : index
      %swap3A_769 = tpu.vector_load %arg7[%swap3A_768] {strides = array<i32>} : memref<128xi32, #tpu.memory_space<vmem>>, vector<16xi32>,
      %swap3A_770 = vector.shape_cast %swap3A_769 : vector<16xi32> to vector<16xi32>
      %swap3A_771 = vector.shape_cast %get3A_767 : vector<16xi32> to vector<16xi32>
      tpu.vector_store %arg7[%swap3A_768], %swap3A_771 {strides = array<i32>} : memref<128xi32, #tpu.memory_space<vmem>>, vector<16xi32>,
      %get3A_772 = arith.constant 3 : i32
      %get3A_773 = arith.constant 0 : i32
      %get3A_774 = arith.index_cast %get3A_772 : i32 to index
      %get3A_775 = arith.index_cast %get3A_773 : i32 to index
      %get3A_776 = arith.constant 48 : index
      %get3A_777 = tpu.vector_load %arg5[%get3A_774, %get3A_775, %get3A_776] {strides = array<i32>} : memref<4x2x128xi32, #tpu.memory_space<vmem>>, vector<1x1x16xi32>,
      %get3A_778 = vector.shape_cast %get3A_777 : vector<1x1x16xi32> to vector<16xi32>
      %swap3A_779 = arith.constant 48 : index
      %swap3A_780 = tpu.vector_load %arg7[%swap3A_779] {strides = array<i32>} : memref<128xi32, #tpu.memory_space<vmem>>, vector<16xi32>,
      %swap3A_781 = vector.shape_cast %swap3A_780 : vector<16xi32> to vector<16xi32>
      %swap3A_782 = vector.shape_cast %get3A_778 : vector<16xi32> to vector<16xi32>
      tpu.vector_store %arg7[%swap3A_779], %swap3A_782 {strides = array<i32>} : memref<128xi32, #tpu.memory_space<vmem>>, vector<16xi32>,
      %get3A_783 = arith.constant 3 : i32
      %get3A_784 = arith.constant 0 : i32
      %get3A_785 = arith.index_cast %get3A_783 : i32 to index
      %get3A_786 = arith.index_cast %get3A_784 : i32 to index
      %get3A_787 = arith.constant 64 : index
      %get3A_788 = tpu.vector_load %arg5[%get3A_785, %get3A_786, %get3A_787] {strides = array<i32>} : memref<4x2x128xi32, #tpu.memory_space<vmem>>, vector<1x1x16xi32>,
      %get3A_789 = vector.shape_cast %get3A_788 : vector<1x1x16xi32> to vector<16xi32>
      %swap3A_790 = arith.constant 64 : index
      %swap3A_791 = tpu.vector_load %arg7[%swap3A_790] {strides = array<i32>} : memref<128xi32, #tpu.memory_space<vmem>>, vector<16xi32>,
      %swap3A_792 = vector.shape_cast %swap3A_791 : vector<16xi32> to vector<16xi32>
      %swap3A_793 = vector.shape_cast %get3A_789 : vector<16xi32> to vector<16xi32>
      tpu.vector_store %arg7[%swap3A_790], %swap3A_793 {strides = array<i32>} : memref<128xi32, #tpu.memory_space<vmem>>, vector<16xi32>,
      %get3A_794 = arith.constant 3 : i32
      %get3A_795 = arith.constant 0 : i32
      %get3A_796 = arith.index_cast %get3A_794 : i32 to index
      %get3A_797 = arith.index_cast %get3A_795 : i32 to index
      %get3A_798 = arith.constant 80 : index
      %get3A_799 = tpu.vector_load %arg5[%get3A_796, %get3A_797, %get3A_798] {strides = array<i32>} : memref<4x2x128xi32, #tpu.memory_space<vmem>>, vector<1x1x16xi32>,
      %get3A_800 = vector.shape_cast %get3A_799 : vector<1x1x16xi32> to vector<16xi32>
      %swap3A_801 = arith.constant 80 : index
      %swap3A_802 = tpu.vector_load %arg7[%swap3A_801] {strides = array<i32>} : memref<128xi32, #tpu.memory_space<vmem>>, vector<16xi32>,
      %swap3A_803 = vector.shape_cast %swap3A_802 : vector<16xi32> to vector<16xi32>
      %swap3A_804 = vector.shape_cast %get3A_800 : vector<16xi32> to vector<16xi32>
      tpu.vector_store %arg7[%swap3A_801], %swap3A_804 {strides = array<i32>} : memref<128xi32, #tpu.memory_space<vmem>>, vector<16xi32>,
      %get3A_805 = arith.constant 3 : i32
      %get3A_806 = arith.constant 0 : i32
      %get3A_807 = arith.index_cast %get3A_805 : i32 to index
      %get3A_808 = arith.index_cast %get3A_806 : i32 to index
      %get3A_809 = arith.constant 96 : index
      %get3A_810 = tpu.vector_load %arg5[%get3A_807, %get3A_808, %get3A_809] {strides = array<i32>} : memref<4x2x128xi32, #tpu.memory_space<vmem>>, vector<1x1x16xi32>,
      %get3A_811 = vector.shape_cast %get3A_810 : vector<1x1x16xi32> to vector<16xi32>
      %swap3A_812 = arith.constant 96 : index
      %swap3A_813 = tpu.vector_load %arg7[%swap3A_812] {strides = array<i32>} : memref<128xi32, #tpu.memory_space<vmem>>, vector<16xi32>,
      %swap3A_814 = vector.shape_cast %swap3A_813 : vector<16xi32> to vector<16xi32>
      %swap3A_815 = vector.shape_cast %get3A_811 : vector<16xi32> to vector<16xi32>
      tpu.vector_store %arg7[%swap3A_812], %swap3A_815 {strides = array<i32>} : memref<128xi32, #tpu.memory_space<vmem>>, vector<16xi32>,
      %get3A_816 = arith.constant 3 : i32
      %get3A_817 = arith.constant 0 : i32
      %get3A_818 = arith.index_cast %get3A_816 : i32 to index
      %get3A_819 = arith.index_cast %get3A_817 : i32 to index
      %get3A_820 = arith.constant 112 : index
      %get3A_821 = tpu.vector_load %arg5[%get3A_818, %get3A_819, %get3A_820] {strides = array<i32>} : memref<4x2x128xi32, #tpu.memory_space<vmem>>, vector<1x1x16xi32>,
      %get3A_822 = vector.shape_cast %get3A_821 : vector<1x1x16xi32> to vector<16xi32>
      %swap3A_823 = arith.constant 112 : index
      %swap3A_824 = tpu.vector_load %arg7[%swap3A_823] {strides = array<i32>} : memref<128xi32, #tpu.memory_space<vmem>>, vector<16xi32>,
      %swap3A_825 = vector.shape_cast %swap3A_824 : vector<16xi32> to vector<16xi32>
      %swap3A_826 = vector.shape_cast %get3A_822 : vector<16xi32> to vector<16xi32>
      tpu.vector_store %arg7[%swap3A_823], %swap3A_826 {strides = array<i32>} : memref<128xi32, #tpu.memory_space<vmem>>, vector<16xi32>,
      %dma_start3A_827 = arith.constant 0 : i32
      %dma_start3A_828 = arith.constant 0 : i32
      %dma_start3A_829 = tpu.memref_slice %arg3[%dma_start3A_827, %dma_start3A_828] : memref<10000x128xf32, #tpu.memory_space<hbm>> -> memref<10000x128xf32, #tpu.memory_space<hbm>>
      tpu.enqueue_indirect_dma source(%dma_start3A_829 : memref<10000x128xf32, #tpu.memory_space<hbm>>) target(%arg10 : memref<128x128xf32, #tpu.memory_space<vmem>>) offsets(%arg7 : memref<128xi32, #tpu.memory_space<vmem>>) semaphore(%arg13 : memref<!tpu.dma_semaphore, #tpu.memory_space<semaphore_mem>>)
      %add3A_830 = arith.constant 2 : i32
      %add3A_831 = arith.addi %mul3A_372, %add3A_830 : i32
      %dma_wait3A_832 = arith.constant 0 : i32
      %dma_wait3A_833 = arith.constant 0 : i32
      %dma_wait3A_834 = tpu.memref_slice %arg3[%dma_wait3A_832, %dma_wait3A_833] : memref<10000x128xf32, #tpu.memory_space<hbm>> -> memref<10000x128xf32, #tpu.memory_space<hbm>>
      tpu.wait_indirect_dma semaphore(%arg12 : memref<!tpu.dma_semaphore, #tpu.memory_space<semaphore_mem>>) src(%dma_wait3A_834 : memref<10000x128xf32, #tpu.memory_space<hbm>>) dst(%arg9 : memref<128x128xf32, #tpu.memory_space<vmem>>)
      %lt3A_835 = arith.cmpi slt, %add3A_831, %add3A_8 : i32
      %broadcast_in_dim3A_836 = arith.constant 10000 : i32
      %broadcast_in_dim3A_837 = vector.broadcast %broadcast_in_dim3A_836 : i32 to vector<16xi32>
      %get3A_838 = arith.constant 2 : i32
      %get3A_839 = arith.constant 1 : i32
      %get3A_840 = arith.index_cast %get3A_838 : i32 to index
      %get3A_841 = arith.index_cast %get3A_839 : i32 to index
      %get3A_842 = arith.constant 0 : index
      %get3A_843 = tpu.vector_load %arg5[%get3A_840, %get3A_841, %get3A_842] {strides = array<i32>} : memref<4x2x128xi32, #tpu.memory_space<vmem>>, vector<1x1x16xi32>,
      %get3A_844 = vector.shape_cast %get3A_843 : vector<1x1x16xi32> to vector<16xi32>
      %select_n3A_845 = arith.select %lt3A_835, %get3A_844, %broadcast_in_dim3A_837 : vector<16xi32>
      %swap3A_846 = arith.constant 0 : index
      %swap3A_847 = tpu.vector_load %arg8[%swap3A_846] {strides = array<i32>} : memref<128xi32, #tpu.memory_space<vmem>>, vector<16xi32>,
      %swap3A_848 = vector.shape_cast %swap3A_847 : vector<16xi32> to vector<16xi32>
      %swap3A_849 = vector.shape_cast %select_n3A_845 : vector<16xi32> to vector<16xi32>
      tpu.vector_store %arg8[%swap3A_846], %swap3A_849 {strides = array<i32>} : memref<128xi32, #tpu.memory_space<vmem>>, vector<16xi32>,
      %get3A_850 = arith.constant 2 : i32
      %get3A_851 = arith.constant 1 : i32
      %get3A_852 = arith.index_cast %get3A_850 : i32 to index
      %get3A_853 = arith.index_cast %get3A_851 : i32 to index
      %get3A_854 = arith.constant 16 : index
      %get3A_855 = tpu.vector_load %arg5[%get3A_852, %get3A_853, %get3A_854] {strides = array<i32>} : memref<4x2x128xi32, #tpu.memory_space<vmem>>, vector<1x1x16xi32>,
      %get3A_856 = vector.shape_cast %get3A_855 : vector<1x1x16xi32> to vector<16xi32>
      %select_n3A_857 = arith.select %lt3A_835, %get3A_856, %broadcast_in_dim3A_837 : vector<16xi32>
      %swap3A_858 = arith.constant 16 : index
      %swap3A_859 = tpu.vector_load %arg8[%swap3A_858] {strides = array<i32>} : memref<128xi32, #tpu.memory_space<vmem>>, vector<16xi32>,
      %swap3A_860 = vector.shape_cast %swap3A_859 : vector<16xi32> to vector<16xi32>
      %swap3A_861 = vector.shape_cast %select_n3A_857 : vector<16xi32> to vector<16xi32>
      tpu.vector_store %arg8[%swap3A_858], %swap3A_861 {strides = array<i32>} : memref<128xi32, #tpu.memory_space<vmem>>, vector<16xi32>,
      %get3A_862 = arith.constant 2 : i32
      %get3A_863 = arith.constant 1 : i32
      %get3A_864 = arith.index_cast %get3A_862 : i32 to index
      %get3A_865 = arith.index_cast %get3A_863 : i32 to index
      %get3A_866 = arith.constant 32 : index
      %get3A_867 = tpu.vector_load %arg5[%get3A_864, %get3A_865, %get3A_866] {strides = array<i32>} : memref<4x2x128xi32, #tpu.memory_space<vmem>>, vector<1x1x16xi32>,
      %get3A_868 = vector.shape_cast %get3A_867 : vector<1x1x16xi32> to vector<16xi32>
      %select_n3A_869 = arith.select %lt3A_835, %get3A_868, %broadcast_in_dim3A_837 : vector<16xi32>
      %swap3A_870 = arith.constant 32 : index
      %swap3A_871 = tpu.vector_load %arg8[%swap3A_870] {strides = array<i32>} : memref<128xi32, #tpu.memory_space<vmem>>, vector<16xi32>,
      %swap3A_872 = vector.shape_cast %swap3A_871 : vector<16xi32> to vector<16xi32>
      %swap3A_873 = vector.shape_cast %select_n3A_869 : vector<16xi32> to vector<16xi32>
      tpu.vector_store %arg8[%swap3A_870], %swap3A_873 {strides = array<i32>} : memref<128xi32, #tpu.memory_space<vmem>>, vector<16xi32>,
      %get3A_874 = arith.constant 2 : i32
      %get3A_875 = arith.constant 1 : i32
      %get3A_876 = arith.index_cast %get3A_874 : i32 to index
      %get3A_877 = arith.index_cast %get3A_875 : i32 to index
      %get3A_878 = arith.constant 48 : index
      %get3A_879 = tpu.vector_load %arg5[%get3A_876, %get3A_877, %get3A_878] {strides = array<i32>} : memref<4x2x128xi32, #tpu.memory_space<vmem>>, vector<1x1x16xi32>,
      %get3A_880 = vector.shape_cast %get3A_879 : vector<1x1x16xi32> to vector<16xi32>
      %select_n3A_881 = arith.select %lt3A_835, %get3A_880, %broadcast_in_dim3A_837 : vector<16xi32>
      %swap3A_882 = arith.constant 48 : index
      %swap3A_883 = tpu.vector_load %arg8[%swap3A_882] {strides = array<i32>} : memref<128xi32, #tpu.memory_space<vmem>>, vector<16xi32>,
      %swap3A_884 = vector.shape_cast %swap3A_883 : vector<16xi32> to vector<16xi32>
      %swap3A_885 = vector.shape_cast %select_n3A_881 : vector<16xi32> to vector<16xi32>
      tpu.vector_store %arg8[%swap3A_882], %swap3A_885 {strides = array<i32>} : memref<128xi32, #tpu.memory_space<vmem>>, vector<16xi32>,
      %get3A_886 = arith.constant 2 : i32
      %get3A_887 = arith.constant 1 : i32
      %get3A_888 = arith.index_cast %get3A_886 : i32 to index
      %get3A_889 = arith.index_cast %get3A_887 : i32 to index
      %get3A_890 = arith.constant 64 : index
      %get3A_891 = tpu.vector_load %arg5[%get3A_888, %get3A_889, %get3A_890] {strides = array<i32>} : memref<4x2x128xi32, #tpu.memory_space<vmem>>, vector<1x1x16xi32>,
      %get3A_892 = vector.shape_cast %get3A_891 : vector<1x1x16xi32> to vector<16xi32>
      %select_n3A_893 = arith.select %lt3A_835, %get3A_892, %broadcast_in_dim3A_837 : vector<16xi32>
      %swap3A_894 = arith.constant 64 : index
      %swap3A_895 = tpu.vector_load %arg8[%swap3A_894] {strides = array<i32>} : memref<128xi32, #tpu.memory_space<vmem>>, vector<16xi32>,
      %swap3A_896 = vector.shape_cast %swap3A_895 : vector<16xi32> to vector<16xi32>
      %swap3A_897 = vector.shape_cast %select_n3A_893 : vector<16xi32> to vector<16xi32>
      tpu.vector_store %arg8[%swap3A_894], %swap3A_897 {strides = array<i32>} : memref<128xi32, #tpu.memory_space<vmem>>, vector<16xi32>,
      %get3A_898 = arith.constant 2 : i32
      %get3A_899 = arith.constant 1 : i32
      %get3A_900 = arith.index_cast %get3A_898 : i32 to index
      %get3A_901 = arith.index_cast %get3A_899 : i32 to index
      %get3A_902 = arith.constant 80 : index
      %get3A_903 = tpu.vector_load %arg5[%get3A_900, %get3A_901, %get3A_902] {strides = array<i32>} : memref<4x2x128xi32, #tpu.memory_space<vmem>>, vector<1x1x16xi32>,
      %get3A_904 = vector.shape_cast %get3A_903 : vector<1x1x16xi32> to vector<16xi32>
      %select_n3A_905 = arith.select %lt3A_835, %get3A_904, %broadcast_in_dim3A_837 : vector<16xi32>
      %swap3A_906 = arith.constant 80 : index
      %swap3A_907 = tpu.vector_load %arg8[%swap3A_906] {strides = array<i32>} : memref<128xi32, #tpu.memory_space<vmem>>, vector<16xi32>,
      %swap3A_908 = vector.shape_cast %swap3A_907 : vector<16xi32> to vector<16xi32>
      %swap3A_909 = vector.shape_cast %select_n3A_905 : vector<16xi32> to vector<16xi32>
      tpu.vector_store %arg8[%swap3A_906], %swap3A_909 {strides = array<i32>} : memref<128xi32, #tpu.memory_space<vmem>>, vector<16xi32>,
      %get3A_910 = arith.constant 2 : i32
      %get3A_911 = arith.constant 1 : i32
      %get3A_912 = arith.index_cast %get3A_910 : i32 to index
      %get3A_913 = arith.index_cast %get3A_911 : i32 to index
      %get3A_914 = arith.constant 96 : index
      %get3A_915 = tpu.vector_load %arg5[%get3A_912, %get3A_913, %get3A_914] {strides = array<i32>} : memref<4x2x128xi32, #tpu.memory_space<vmem>>, vector<1x1x16xi32>,
      %get3A_916 = vector.shape_cast %get3A_915 : vector<1x1x16xi32> to vector<16xi32>
      %select_n3A_917 = arith.select %lt3A_835, %get3A_916, %broadcast_in_dim3A_837 : vector<16xi32>
      %swap3A_918 = arith.constant 96 : index
      %swap3A_919 = tpu.vector_load %arg8[%swap3A_918] {strides = array<i32>} : memref<128xi32, #tpu.memory_space<vmem>>, vector<16xi32>,
      %swap3A_920 = vector.shape_cast %swap3A_919 : vector<16xi32> to vector<16xi32>
      %swap3A_921 = vector.shape_cast %select_n3A_917 : vector<16xi32> to vector<16xi32>
      tpu.vector_store %arg8[%swap3A_918], %swap3A_921 {strides = array<i32>} : memref<128xi32, #tpu.memory_space<vmem>>, vector<16xi32>,
      %get3A_922 = arith.constant 2 : i32
      %get3A_923 = arith.constant 1 : i32
      %get3A_924 = arith.index_cast %get3A_922 : i32 to index
      %get3A_925 = arith.index_cast %get3A_923 : i32 to index
      %get3A_926 = arith.constant 112 : index
      %get3A_927 = tpu.vector_load %arg5[%get3A_924, %get3A_925, %get3A_926] {strides = array<i32>} : memref<4x2x128xi32, #tpu.memory_space<vmem>>, vector<1x1x16xi32>,
      %get3A_928 = vector.shape_cast %get3A_927 : vector<1x1x16xi32> to vector<16xi32>
      %select_n3A_929 = arith.select %lt3A_835, %get3A_928, %broadcast_in_dim3A_837 : vector<16xi32>
      %swap3A_930 = arith.constant 112 : index
      %swap3A_931 = tpu.vector_load %arg8[%swap3A_930] {strides = array<i32>} : memref<128xi32, #tpu.memory_space<vmem>>, vector<16xi32>,
      %swap3A_932 = vector.shape_cast %swap3A_931 : vector<16xi32> to vector<16xi32>
      %swap3A_933 = vector.shape_cast %select_n3A_929 : vector<16xi32> to vector<16xi32>
      tpu.vector_store %arg8[%swap3A_930], %swap3A_933 {strides = array<i32>} : memref<128xi32, #tpu.memory_space<vmem>>, vector<16xi32>,
      "tpu.region"() ({
        %run_scoped3A = tpu.sem_alloc : memref<!tpu.dma_semaphore, #tpu.memory_space<semaphore_mem>>
        %dma_start3A_1289 = arith.constant 0 : i32
        %dma_start3A_1290 = arith.constant 0 : i32
        %dma_start3A_1291 = tpu.memref_slice %arg11[%dma_start3A_1289, %dma_start3A_1290] : memref<10008x128xf32, #tpu.memory_space<vmem_shared>> -> memref<10008x128xf32, #tpu.memory_space<vmem_shared>>
        tpu.enqueue_indirect_dma source(%arg9 : memref<128x128xf32, #tpu.memory_space<vmem>>) target(%dma_start3A_1291 : memref<10008x128xf32, #tpu.memory_space<vmem_shared>>) offsets(%arg8 : memref<128xi32, #tpu.memory_space<vmem>>) semaphore(%run_scoped3A : memref<!tpu.dma_semaphore, #tpu.memory_space<semaphore_mem>>) {add = true}
        %dma_wait3A_1292 = arith.constant 0 : i32
        %dma_wait3A_1293 = arith.constant 0 : i32
        %dma_wait3A_1294 = tpu.memref_slice %arg11[%dma_wait3A_1292, %dma_wait3A_1293] : memref<10008x128xf32, #tpu.memory_space<vmem_shared>> -> memref<10008x128xf32, #tpu.memory_space<vmem_shared>>
        tpu.wait_indirect_dma semaphore(%run_scoped3A : memref<!tpu.dma_semaphore, #tpu.memory_space<semaphore_mem>>) src(%arg9 : memref<128x128xf32, #tpu.memory_space<vmem>>) dst(%dma_wait3A_1294 : memref<10008x128xf32, #tpu.memory_space<vmem_shared>>)
        tpu.yield
      }) : () -> ()
      %add3A_934 = arith.constant 4 : i32
      %add3A_935 = arith.addi %add3A_831, %add3A_934 : i32
      %add3A_936 = arith.addi %add3A_4, %add3A_935 : i32
      %mul3A_937 = arith.constant 128 : i32
      %mul3A_938 = arith.muli %add3A_936, %mul3A_937 : i32
      %multiple_of3A_939 = tpu.assume_multiple %mul3A_938, 128 : i32
      %dma_start3A_940 = arith.constant 2 : i32
      %dma_start3A_941 = arith.constant 0 : i32
      %dma_start3A_942 = arith.constant 0 : i32
      %dma_start3A_943 = tpu.memref_slice %arg5[%dma_start3A_940, %dma_start3A_941, %dma_start3A_942] : memref<4x2x128xi32, #tpu.memory_space<vmem>> -> memref<1x2x128xi32, #tpu.memory_space<vmem>>
      %dma_start3A_944 = tpu.memref_squeeze %dma_start3A_943 : memref<1x2x128xi32, #tpu.memory_space<vmem>> -> memref<2x128xi32, #tpu.memory_space<vmem>>
      %dma_start3A_945 = arith.constant 0 : i32
      %dma_start3A_946 = tpu.memref_slice %arg2[%dma_start3A_945, %multiple_of3A_939] : memref<2x320768xi32, #tpu.memory_space<hbm>> -> memref<2x128xi32, #tpu.memory_space<hbm>>
      %dma_start3A_947 = arith.constant 0 : i32
      %dma_start3A_948 = arith.constant 0 : i32
      %dma_start3A_949 = tpu.memref_slice %arg5[%dma_start3A_940, %dma_start3A_947, %dma_start3A_948] : memref<4x2x128xi32, #tpu.memory_space<vmem>> -> memref<1x2x128xi32, #tpu.memory_space<vmem>>
      %dma_start3A_950 = tpu.memref_squeeze %dma_start3A_949 : memref<1x2x128xi32, #tpu.memory_space<vmem>> -> memref<2x128xi32, #tpu.memory_space<vmem>>
      %dma_start3A_951 = arith.constant 0 : i32
      %dma_start3A_952 = tpu.memref_slice %arg2[%dma_start3A_951, %multiple_of3A_939] : memref<2x320768xi32, #tpu.memory_space<hbm>> -> memref<2x128xi32, #tpu.memory_space<hbm>>
      tpu.enqueue_dma source(%dma_start3A_952 : memref<2x128xi32, #tpu.memory_space<hbm>>) target(%dma_start3A_950 : memref<2x128xi32, #tpu.memory_space<vmem>>) target_semaphore(%arg16 : memref<!tpu.dma_semaphore, #tpu.memory_space<semaphore_mem>>)
      %dma_wait3A_953 = arith.constant 0 : i32
      %dma_wait3A_954 = arith.constant 0 : i32
      %dma_wait3A_955 = arith.constant 0 : i32
      %dma_wait3A_956 = tpu.memref_slice %arg5[%dma_wait3A_953, %dma_wait3A_954, %dma_wait3A_955] : memref<4x2x128xi32, #tpu.memory_space<vmem>> -> memref<1x2x128xi32, #tpu.memory_space<vmem>>
      %dma_wait3A_957 = tpu.memref_squeeze %dma_wait3A_956 : memref<1x2x128xi32, #tpu.memory_space<vmem>> -> memref<2x128xi32, #tpu.memory_space<vmem>>
      %dma_wait3A_958 = arith.constant 0 : i32
      %dma_wait3A_959 = arith.constant 0 : i32
      %dma_wait3A_960 = tpu.memref_slice %arg2[%dma_wait3A_958, %dma_wait3A_959] : memref<2x320768xi32, #tpu.memory_space<hbm>> -> memref<2x128xi32, #tpu.memory_space<hbm>>
      %dma_wait3A_961 = arith.constant 0 : i32
      %dma_wait3A_962 = arith.constant 0 : i32
      %dma_wait3A_963 = tpu.memref_slice %arg5[%dma_wait3A_953, %dma_wait3A_961, %dma_wait3A_962] : memref<4x2x128xi32, #tpu.memory_space<vmem>> -> memref<1x2x128xi32, #tpu.memory_space<vmem>>
      %dma_wait3A_964 = tpu.memref_squeeze %dma_wait3A_963 : memref<1x2x128xi32, #tpu.memory_space<vmem>> -> memref<2x128xi32, #tpu.memory_space<vmem>>
      %dma_wait3A_965 = arith.constant 0 : i32
      %dma_wait3A_966 = arith.constant 0 : i32
      %dma_wait3A_967 = tpu.memref_slice %arg2[%dma_wait3A_965, %dma_wait3A_966] : memref<2x320768xi32, #tpu.memory_space<hbm>> -> memref<2x128xi32, #tpu.memory_space<hbm>>
      tpu.wait_dma2 semaphore(%arg14 : memref<!tpu.dma_semaphore, #tpu.memory_space<semaphore_mem>>) src(%dma_wait3A_967 : memref<2x128xi32, #tpu.memory_space<hbm>>) dst(%dma_wait3A_964 : memref<2x128xi32, #tpu.memory_space<vmem>>)
      %get3A_968 = arith.constant 0 : i32
      %get3A_969 = arith.constant 0 : i32
      %get3A_970 = arith.index_cast %get3A_968 : i32 to index
      %get3A_971 = arith.index_cast %get3A_969 : i32 to index
      %get3A_972 = arith.constant 0 : index
      %get3A_973 = tpu.vector_load %arg5[%get3A_970, %get3A_971, %get3A_972] {strides = array<i32>} : memref<4x2x128xi32, #tpu.memory_space<vmem>>, vector<1x1x16xi32>,
      %get3A_974 = vector.shape_cast %get3A_973 : vector<1x1x16xi32> to vector<16xi32>
      %swap3A_975 = arith.constant 0 : index
      %swap3A_976 = tpu.vector_load %arg6[%swap3A_975] {strides = array<i32>} : memref<128xi32, #tpu.memory_space<vmem>>, vector<16xi32>,
      %swap3A_977 = vector.shape_cast %swap3A_976 : vector<16xi32> to vector<16xi32>
      %swap3A_978 = vector.shape_cast %get3A_974 : vector<16xi32> to vector<16xi32>
      tpu.vector_store %arg6[%swap3A_975], %swap3A_978 {strides = array<i32>} : memref<128xi32, #tpu.memory_space<vmem>>, vector<16xi32>,
      %get3A_979 = arith.constant 0 : i32
      %get3A_980 = arith.constant 0 : i32
      %get3A_981 = arith.index_cast %get3A_979 : i32 to index
      %get3A_982 = arith.index_cast %get3A_980 : i32 to index
      %get3A_983 = arith.constant 16 : index
      %get3A_984 = tpu.vector_load %arg5[%get3A_981, %get3A_982, %get3A_983] {strides = array<i32>} : memref<4x2x128xi32, #tpu.memory_space<vmem>>, vector<1x1x16xi32>,
      %get3A_985 = vector.shape_cast %get3A_984 : vector<1x1x16xi32> to vector<16xi32>
      %swap3A_986 = arith.constant 16 : index
      %swap3A_987 = tpu.vector_load %arg6[%swap3A_986] {strides = array<i32>} : memref<128xi32, #tpu.memory_space<vmem>>, vector<16xi32>,
      %swap3A_988 = vector.shape_cast %swap3A_987 : vector<16xi32> to vector<16xi32>
      %swap3A_989 = vector.shape_cast %get3A_985 : vector<16xi32> to vector<16xi32>
      tpu.vector_store %arg6[%swap3A_986], %swap3A_989 {strides = array<i32>} : memref<128xi32, #tpu.memory_space<vmem>>, vector<16xi32>,
      %get3A_990 = arith.constant 0 : i32
      %get3A_991 = arith.constant 0 : i32
      %get3A_992 = arith.index_cast %get3A_990 : i32 to index
      %get3A_993 = arith.index_cast %get3A_991 : i32 to index
      %get3A_994 = arith.constant 32 : index
      %get3A_995 = tpu.vector_load %arg5[%get3A_992, %get3A_993, %get3A_994] {strides = array<i32>} : memref<4x2x128xi32, #tpu.memory_space<vmem>>, vector<1x1x16xi32>,
      %get3A_996 = vector.shape_cast %get3A_995 : vector<1x1x16xi32> to vector<16xi32>
      %swap3A_997 = arith.constant 32 : index
      %swap3A_998 = tpu.vector_load %arg6[%swap3A_997] {strides = array<i32>} : memref<128xi32, #tpu.memory_space<vmem>>, vector<16xi32>,
      %swap3A_999 = vector.shape_cast %swap3A_998 : vector<16xi32> to vector<16xi32>
      %swap3A_1000 = vector.shape_cast %get3A_996 : vector<16xi32> to vector<16xi32>
      tpu.vector_store %arg6[%swap3A_997], %swap3A_1000 {strides = array<i32>} : memref<128xi32, #tpu.memory_space<vmem>>, vector<16xi32>,
      %get3A_1001 = arith.constant 0 : i32
      %get3A_1002 = arith.constant 0 : i32
      %get3A_1003 = arith.index_cast %get3A_1001 : i32 to index
      %get3A_1004 = arith.index_cast %get3A_1002 : i32 to index
      %get3A_1005 = arith.constant 48 : index
      %get3A_1006 = tpu.vector_load %arg5[%get3A_1003, %get3A_1004, %get3A_1005] {strides = array<i32>} : memref<4x2x128xi32, #tpu.memory_space<vmem>>, vector<1x1x16xi32>,
      %get3A_1007 = vector.shape_cast %get3A_1006 : vector<1x1x16xi32> to vector<16xi32>
      %swap3A_1008 = arith.constant 48 : index
      %swap3A_1009 = tpu.vector_load %arg6[%swap3A_1008] {strides = array<i32>} : memref<128xi32, #tpu.memory_space<vmem>>, vector<16xi32>,
      %swap3A_1010 = vector.shape_cast %swap3A_1009 : vector<16xi32> to vector<16xi32>
      %swap3A_1011 = vector.shape_cast %get3A_1007 : vector<16xi32> to vector<16xi32>
      tpu.vector_store %arg6[%swap3A_1008], %swap3A_1011 {strides = array<i32>} : memref<128xi32, #tpu.memory_space<vmem>>, vector<16xi32>,
      %get3A_1012 = arith.constant 0 : i32
      %get3A_1013 = arith.constant 0 : i32
      %get3A_1014 = arith.index_cast %get3A_1012 : i32 to index
      %get3A_1015 = arith.index_cast %get3A_1013 : i32 to index
      %get3A_1016 = arith.constant 64 : index
      %get3A_1017 = tpu.vector_load %arg5[%get3A_1014, %get3A_1015, %get3A_1016] {strides = array<i32>} : memref<4x2x128xi32, #tpu.memory_space<vmem>>, vector<1x1x16xi32>,
      %get3A_1018 = vector.shape_cast %get3A_1017 : vector<1x1x16xi32> to vector<16xi32>
      %swap3A_1019 = arith.constant 64 : index
      %swap3A_1020 = tpu.vector_load %arg6[%swap3A_1019] {strides = array<i32>} : memref<128xi32, #tpu.memory_space<vmem>>, vector<16xi32>,
      %swap3A_1021 = vector.shape_cast %swap3A_1020 : vector<16xi32> to vector<16xi32>
      %swap3A_1022 = vector.shape_cast %get3A_1018 : vector<16xi32> to vector<16xi32>
      tpu.vector_store %arg6[%swap3A_1019], %swap3A_1022 {strides = array<i32>} : memref<128xi32, #tpu.memory_space<vmem>>, vector<16xi32>,
      %get3A_1023 = arith.constant 0 : i32
      %get3A_1024 = arith.constant 0 : i32
      %get3A_1025 = arith.index_cast %get3A_1023 : i32 to index
      %get3A_1026 = arith.index_cast %get3A_1024 : i32 to index
      %get3A_1027 = arith.constant 80 : index
      %get3A_1028 = tpu.vector_load %arg5[%get3A_1025, %get3A_1026, %get3A_1027] {strides = array<i32>} : memref<4x2x128xi32, #tpu.memory_space<vmem>>, vector<1x1x16xi32>,
      %get3A_1029 = vector.shape_cast %get3A_1028 : vector<1x1x16xi32> to vector<16xi32>
      %swap3A_1030 = arith.constant 80 : index
      %swap3A_1031 = tpu.vector_load %arg6[%swap3A_1030] {strides = array<i32>} : memref<128xi32, #tpu.memory_space<vmem>>, vector<16xi32>,
      %swap3A_1032 = vector.shape_cast %swap3A_1031 : vector<16xi32> to vector<16xi32>
      %swap3A_1033 = vector.shape_cast %get3A_1029 : vector<16xi32> to vector<16xi32>
      tpu.vector_store %arg6[%swap3A_1030], %swap3A_1033 {strides = array<i32>} : memref<128xi32, #tpu.memory_space<vmem>>, vector<16xi32>,
      %get3A_1034 = arith.constant 0 : i32
      %get3A_1035 = arith.constant 0 : i32
      %get3A_1036 = arith.index_cast %get3A_1034 : i32 to index
      %get3A_1037 = arith.index_cast %get3A_1035 : i32 to index
      %get3A_1038 = arith.constant 96 : index
      %get3A_1039 = tpu.vector_load %arg5[%get3A_1036, %get3A_1037, %get3A_1038] {strides = array<i32>} : memref<4x2x128xi32, #tpu.memory_space<vmem>>, vector<1x1x16xi32>,
      %get3A_1040 = vector.shape_cast %get3A_1039 : vector<1x1x16xi32> to vector<16xi32>
      %swap3A_1041 = arith.constant 96 : index
      %swap3A_1042 = tpu.vector_load %arg6[%swap3A_1041] {strides = array<i32>} : memref<128xi32, #tpu.memory_space<vmem>>, vector<16xi32>,
      %swap3A_1043 = vector.shape_cast %swap3A_1042 : vector<16xi32> to vector<16xi32>
      %swap3A_1044 = vector.shape_cast %get3A_1040 : vector<16xi32> to vector<16xi32>
      tpu.vector_store %arg6[%swap3A_1041], %swap3A_1044 {strides = array<i32>} : memref<128xi32, #tpu.memory_space<vmem>>, vector<16xi32>,
      %get3A_1045 = arith.constant 0 : i32
      %get3A_1046 = arith.constant 0 : i32
      %get3A_1047 = arith.index_cast %get3A_1045 : i32 to index
      %get3A_1048 = arith.index_cast %get3A_1046 : i32 to index
      %get3A_1049 = arith.constant 112 : index
      %get3A_1050 = tpu.vector_load %arg5[%get3A_1047, %get3A_1048, %get3A_1049] {strides = array<i32>} : memref<4x2x128xi32, #tpu.memory_space<vmem>>, vector<1x1x16xi32>,
      %get3A_1051 = vector.shape_cast %get3A_1050 : vector<1x1x16xi32> to vector<16xi32>
      %swap3A_1052 = arith.constant 112 : index
      %swap3A_1053 = tpu.vector_load %arg6[%swap3A_1052] {strides = array<i32>} : memref<128xi32, #tpu.memory_space<vmem>>, vector<16xi32>,
      %swap3A_1054 = vector.shape_cast %swap3A_1053 : vector<16xi32> to vector<16xi32>
      %swap3A_1055 = vector.shape_cast %get3A_1051 : vector<16xi32> to vector<16xi32>
      tpu.vector_store %arg6[%swap3A_1052], %swap3A_1055 {strides = array<i32>} : memref<128xi32, #tpu.memory_space<vmem>>, vector<16xi32>,
      %dma_start3A_1056 = arith.constant 0 : i32
      %dma_start3A_1057 = arith.constant 0 : i32
      %dma_start3A_1058 = tpu.memref_slice %arg3[%dma_start3A_1056, %dma_start3A_1057] : memref<10000x128xf32, #tpu.memory_space<hbm>> -> memref<10000x128xf32, #tpu.memory_space<hbm>>
      tpu.enqueue_indirect_dma source(%dma_start3A_1058 : memref<10000x128xf32, #tpu.memory_space<hbm>>) target(%arg9 : memref<128x128xf32, #tpu.memory_space<vmem>>) offsets(%arg6 : memref<128xi32, #tpu.memory_space<vmem>>) semaphore(%arg12 : memref<!tpu.dma_semaphore, #tpu.memory_space<semaphore_mem>>)
      %add3A_1059 = arith.constant 3 : i32
      %add3A_1060 = arith.addi %mul3A_372, %add3A_1059 : i32
      %dma_wait3A_1061 = arith.constant 0 : i32
      %dma_wait3A_1062 = arith.constant 0 : i32
      %dma_wait3A_1063 = tpu.memref_slice %arg3[%dma_wait3A_1061, %dma_wait3A_1062] : memref<10000x128xf32, #tpu.memory_space<hbm>> -> memref<10000x128xf32, #tpu.memory_space<hbm>>
      tpu.wait_indirect_dma semaphore(%arg13 : memref<!tpu.dma_semaphore, #tpu.memory_space<semaphore_mem>>) src(%dma_wait3A_1063 : memref<10000x128xf32, #tpu.memory_space<hbm>>) dst(%arg10 : memref<128x128xf32, #tpu.memory_space<vmem>>)
      %lt3A_1064 = arith.cmpi slt, %add3A_1060, %add3A_8 : i32
      %broadcast_in_dim3A_1065 = arith.constant 10000 : i32
      %broadcast_in_dim3A_1066 = vector.broadcast %broadcast_in_dim3A_1065 : i32 to vector<16xi32>
      %get3A_1067 = arith.constant 3 : i32
      %get3A_1068 = arith.constant 1 : i32
      %get3A_1069 = arith.index_cast %get3A_1067 : i32 to index
      %get3A_1070 = arith.index_cast %get3A_1068 : i32 to index
      %get3A_1071 = arith.constant 0 : index
      %get3A_1072 = tpu.vector_load %arg5[%get3A_1069, %get3A_1070, %get3A_1071] {strides = array<i32>} : memref<4x2x128xi32, #tpu.memory_space<vmem>>, vector<1x1x16xi32>,
      %get3A_1073 = vector.shape_cast %get3A_1072 : vector<1x1x16xi32> to vector<16xi32>
      %select_n3A_1074 = arith.select %lt3A_1064, %get3A_1073, %broadcast_in_dim3A_1066 : vector<16xi32>
      %swap3A_1075 = arith.constant 0 : index
      %swap3A_1076 = tpu.vector_load %arg8[%swap3A_1075] {strides = array<i32>} : memref<128xi32, #tpu.memory_space<vmem>>, vector<16xi32>,
      %swap3A_1077 = vector.shape_cast %swap3A_1076 : vector<16xi32> to vector<16xi32>
      %swap3A_1078 = vector.shape_cast %select_n3A_1074 : vector<16xi32> to vector<16xi32>
      tpu.vector_store %arg8[%swap3A_1075], %swap3A_1078 {strides = array<i32>} : memref<128xi32, #tpu.memory_space<vmem>>, vector<16xi32>,
      %get3A_1079 = arith.constant 3 : i32
      %get3A_1080 = arith.constant 1 : i32
      %get3A_1081 = arith.index_cast %get3A_1079 : i32 to index
      %get3A_1082 = arith.index_cast %get3A_1080 : i32 to index
      %get3A_1083 = arith.constant 16 : index
      %get3A_1084 = tpu.vector_load %arg5[%get3A_1081, %get3A_1082, %get3A_1083] {strides = array<i32>} : memref<4x2x128xi32, #tpu.memory_space<vmem>>, vector<1x1x16xi32>,
      %get3A_1085 = vector.shape_cast %get3A_1084 : vector<1x1x16xi32> to vector<16xi32>
      %select_n3A_1086 = arith.select %lt3A_1064, %get3A_1085, %broadcast_in_dim3A_1066 : vector<16xi32>
      %swap3A_1087 = arith.constant 16 : index
      %swap3A_1088 = tpu.vector_load %arg8[%swap3A_1087] {strides = array<i32>} : memref<128xi32, #tpu.memory_space<vmem>>, vector<16xi32>,
      %swap3A_1089 = vector.shape_cast %swap3A_1088 : vector<16xi32> to vector<16xi32>
      %swap3A_1090 = vector.shape_cast %select_n3A_1086 : vector<16xi32> to vector<16xi32>
      tpu.vector_store %arg8[%swap3A_1087], %swap3A_1090 {strides = array<i32>} : memref<128xi32, #tpu.memory_space<vmem>>, vector<16xi32>,
      %get3A_1091 = arith.constant 3 : i32
      %get3A_1092 = arith.constant 1 : i32
      %get3A_1093 = arith.index_cast %get3A_1091 : i32 to index
      %get3A_1094 = arith.index_cast %get3A_1092 : i32 to index
      %get3A_1095 = arith.constant 32 : index
      %get3A_1096 = tpu.vector_load %arg5[%get3A_1093, %get3A_1094, %get3A_1095] {strides = array<i32>} : memref<4x2x128xi32, #tpu.memory_space<vmem>>, vector<1x1x16xi32>,
      %get3A_1097 = vector.shape_cast %get3A_1096 : vector<1x1x16xi32> to vector<16xi32>
      %select_n3A_1098 = arith.select %lt3A_1064, %get3A_1097, %broadcast_in_dim3A_1066 : vector<16xi32>
      %swap3A_1099 = arith.constant 32 : index
      %swap3A_1100 = tpu.vector_load %arg8[%swap3A_1099] {strides = array<i32>} : memref<128xi32, #tpu.memory_space<vmem>>, vector<16xi32>,
      %swap3A_1101 = vector.shape_cast %swap3A_1100 : vector<16xi32> to vector<16xi32>
      %swap3A_1102 = vector.shape_cast %select_n3A_1098 : vector<16xi32> to vector<16xi32>
      tpu.vector_store %arg8[%swap3A_1099], %swap3A_1102 {strides = array<i32>} : memref<128xi32, #tpu.memory_space<vmem>>, vector<16xi32>,
      %get3A_1103 = arith.constant 3 : i32
      %get3A_1104 = arith.constant 1 : i32
      %get3A_1105 = arith.index_cast %get3A_1103 : i32 to index
      %get3A_1106 = arith.index_cast %get3A_1104 : i32 to index
      %get3A_1107 = arith.constant 48 : index
      %get3A_1108 = tpu.vector_load %arg5[%get3A_1105, %get3A_1106, %get3A_1107] {strides = array<i32>} : memref<4x2x128xi32, #tpu.memory_space<vmem>>, vector<1x1x16xi32>,
      %get3A_1109 = vector.shape_cast %get3A_1108 : vector<1x1x16xi32> to vector<16xi32>
      %select_n3A_1110 = arith.select %lt3A_1064, %get3A_1109, %broadcast_in_dim3A_1066 : vector<16xi32>
      %swap3A_1111 = arith.constant 48 : index
      %swap3A_1112 = tpu.vector_load %arg8[%swap3A_1111] {strides = array<i32>} : memref<128xi32, #tpu.memory_space<vmem>>, vector<16xi32>,
      %swap3A_1113 = vector.shape_cast %swap3A_1112 : vector<16xi32> to vector<16xi32>
      %swap3A_1114 = vector.shape_cast %select_n3A_1110 : vector<16xi32> to vector<16xi32>
      tpu.vector_store %arg8[%swap3A_1111], %swap3A_1114 {strides = array<i32>} : memref<128xi32, #tpu.memory_space<vmem>>, vector<16xi32>,
      %get3A_1115 = arith.constant 3 : i32
      %get3A_1116 = arith.constant 1 : i32
      %get3A_1117 = arith.index_cast %get3A_1115 : i32 to index
      %get3A_1118 = arith.index_cast %get3A_1116 : i32 to index
      %get3A_1119 = arith.constant 64 : index
      %get3A_1120 = tpu.vector_load %arg5[%get3A_1117, %get3A_1118, %get3A_1119] {strides = array<i32>} : memref<4x2x128xi32, #tpu.memory_space<vmem>>, vector<1x1x16xi32>,
      %get3A_1121 = vector.shape_cast %get3A_1120 : vector<1x1x16xi32> to vector<16xi32>
      %select_n3A_1122 = arith.select %lt3A_1064, %get3A_1121, %broadcast_in_dim3A_1066 : vector<16xi32>
      %swap3A_1123 = arith.constant 64 : index
      %swap3A_1124 = tpu.vector_load %arg8[%swap3A_1123] {strides = array<i32>} : memref<128xi32, #tpu.memory_space<vmem>>, vector<16xi32>,
      %swap3A_1125 = vector.shape_cast %swap3A_1124 : vector<16xi32> to vector<16xi32>
      %swap3A_1126 = vector.shape_cast %select_n3A_1122 : vector<16xi32> to vector<16xi32>
      tpu.vector_store %arg8[%swap3A_1123], %swap3A_1126 {strides = array<i32>} : memref<128xi32, #tpu.memory_space<vmem>>, vector<16xi32>,
      %get3A_1127 = arith.constant 3 : i32
      %get3A_1128 = arith.constant 1 : i32
      %get3A_1129 = arith.index_cast %get3A_1127 : i32 to index
      %get3A_1130 = arith.index_cast %get3A_1128 : i32 to index
      %get3A_1131 = arith.constant 80 : index
      %get3A_1132 = tpu.vector_load %arg5[%get3A_1129, %get3A_1130, %get3A_1131] {strides = array<i32>} : memref<4x2x128xi32, #tpu.memory_space<vmem>>, vector<1x1x16xi32>,
      %get3A_1133 = vector.shape_cast %get3A_1132 : vector<1x1x16xi32> to vector<16xi32>
      %select_n3A_1134 = arith.select %lt3A_1064, %get3A_1133, %broadcast_in_dim3A_1066 : vector<16xi32>
      %swap3A_1135 = arith.constant 80 : index
      %swap3A_1136 = tpu.vector_load %arg8[%swap3A_1135] {strides = array<i32>} : memref<128xi32, #tpu.memory_space<vmem>>, vector<16xi32>,
      %swap3A_1137 = vector.shape_cast %swap3A_1136 : vector<16xi32> to vector<16xi32>
      %swap3A_1138 = vector.shape_cast %select_n3A_1134 : vector<16xi32> to vector<16xi32>
      tpu.vector_store %arg8[%swap3A_1135], %swap3A_1138 {strides = array<i32>} : memref<128xi32, #tpu.memory_space<vmem>>, vector<16xi32>,
      %get3A_1139 = arith.constant 3 : i32
      %get3A_1140 = arith.constant 1 : i32
      %get3A_1141 = arith.index_cast %get3A_1139 : i32 to index
      %get3A_1142 = arith.index_cast %get3A_1140 : i32 to index
      %get3A_1143 = arith.constant 96 : index
      %get3A_1144 = tpu.vector_load %arg5[%get3A_1141, %get3A_1142, %get3A_1143] {strides = array<i32>} : memref<4x2x128xi32, #tpu.memory_space<vmem>>, vector<1x1x16xi32>,
      %get3A_1145 = vector.shape_cast %get3A_1144 : vector<1x1x16xi32> to vector<16xi32>
      %select_n3A_1146 = arith.select %lt3A_1064, %get3A_1145, %broadcast_in_dim3A_1066 : vector<16xi32>
      %swap3A_1147 = arith.constant 96 : index
      %swap3A_1148 = tpu.vector_load %arg8[%swap3A_1147] {strides = array<i32>} : memref<128xi32, #tpu.memory_space<vmem>>, vector<16xi32>,
      %swap3A_1149 = vector.shape_cast %swap3A_1148 : vector<16xi32> to vector<16xi32>
      %swap3A_1150 = vector.shape_cast %select_n3A_1146 : vector<16xi32> to vector<16xi32>
      tpu.vector_store %arg8[%swap3A_1147], %swap3A_1150 {strides = array<i32>} : memref<128xi32, #tpu.memory_space<vmem>>, vector<16xi32>,
      %get3A_1151 = arith.constant 3 : i32
      %get3A_1152 = arith.constant 1 : i32
      %get3A_1153 = arith.index_cast %get3A_1151 : i32 to index
      %get3A_1154 = arith.index_cast %get3A_1152 : i32 to index
      %get3A_1155 = arith.constant 112 : index
      %get3A_1156 = tpu.vector_load %arg5[%get3A_1153, %get3A_1154, %get3A_1155] {strides = array<i32>} : memref<4x2x128xi32, #tpu.memory_space<vmem>>, vector<1x1x16xi32>,
      %get3A_1157 = vector.shape_cast %get3A_1156 : vector<1x1x16xi32> to vector<16xi32>
      %select_n3A_1158 = arith.select %lt3A_1064, %get3A_1157, %broadcast_in_dim3A_1066 : vector<16xi32>
      %swap3A_1159 = arith.constant 112 : index
      %swap3A_1160 = tpu.vector_load %arg8[%swap3A_1159] {strides = array<i32>} : memref<128xi32, #tpu.memory_space<vmem>>, vector<16xi32>,
      %swap3A_1161 = vector.shape_cast %swap3A_1160 : vector<16xi32> to vector<16xi32>
      %swap3A_1162 = vector.shape_cast %select_n3A_1158 : vector<16xi32> to vector<16xi32>
      tpu.vector_store %arg8[%swap3A_1159], %swap3A_1162 {strides = array<i32>} : memref<128xi32, #tpu.memory_space<vmem>>, vector<16xi32>,
      "tpu.region"() ({
        %run_scoped3A = tpu.sem_alloc : memref<!tpu.dma_semaphore, #tpu.memory_space<semaphore_mem>>
        %dma_start3A_1289 = arith.constant 0 : i32
        %dma_start3A_1290 = arith.constant 0 : i32
        %dma_start3A_1291 = tpu.memref_slice %arg11[%dma_start3A_1289, %dma_start3A_1290] : memref<10008x128xf32, #tpu.memory_space<vmem_shared>> -> memref<10008x128xf32, #tpu.memory_space<vmem_shared>>
        tpu.enqueue_indirect_dma source(%arg10 : memref<128x128xf32, #tpu.memory_space<vmem>>) target(%dma_start3A_1291 : memref<10008x128xf32, #tpu.memory_space<vmem_shared>>) offsets(%arg8 : memref<128xi32, #tpu.memory_space<vmem>>) semaphore(%run_scoped3A : memref<!tpu.dma_semaphore, #tpu.memory_space<semaphore_mem>>) {add = true}
        %dma_wait3A_1292 = arith.constant 0 : i32
        %dma_wait3A_1293 = arith.constant 0 : i32
        %dma_wait3A_1294 = tpu.memref_slice %arg11[%dma_wait3A_1292, %dma_wait3A_1293] : memref<10008x128xf32, #tpu.memory_space<vmem_shared>> -> memref<10008x128xf32, #tpu.memory_space<vmem_shared>>
        tpu.wait_indirect_dma semaphore(%run_scoped3A : memref<!tpu.dma_semaphore, #tpu.memory_space<semaphore_mem>>) src(%arg10 : memref<128x128xf32, #tpu.memory_space<vmem>>) dst(%dma_wait3A_1294 : memref<10008x128xf32, #tpu.memory_space<vmem_shared>>)
        tpu.yield
      }) : () -> ()
      %add3A_1163 = arith.constant 4 : i32
      %add3A_1164 = arith.addi %add3A_1060, %add3A_1163 : i32
      %add3A_1165 = arith.addi %add3A_4, %add3A_1164 : i32
      %mul3A_1166 = arith.constant 128 : i32
      %mul3A_1167 = arith.muli %add3A_1165, %mul3A_1166 : i32
      %multiple_of3A_1168 = tpu.assume_multiple %mul3A_1167, 128 : i32
      %dma_start3A_1169 = arith.constant 3 : i32
      %dma_start3A_1170 = arith.constant 0 : i32
      %dma_start3A_1171 = arith.constant 0 : i32
      %dma_start3A_1172 = tpu.memref_slice %arg5[%dma_start3A_1169, %dma_start3A_1170, %dma_start3A_1171] : memref<4x2x128xi32, #tpu.memory_space<vmem>> -> memref<1x2x128xi32, #tpu.memory_space<vmem>>
      %dma_start3A_1173 = tpu.memref_squeeze %dma_start3A_1172 : memref<1x2x128xi32, #tpu.memory_space<vmem>> -> memref<2x128xi32, #tpu.memory_space<vmem>>
      %dma_start3A_1174 = arith.constant 0 : i32
      %dma_start3A_1175 = tpu.memref_slice %arg2[%dma_start3A_1174, %multiple_of3A_1168] : memref<2x320768xi32, #tpu.memory_space<hbm>> -> memref<2x128xi32, #tpu.memory_space<hbm>>
      %dma_start3A_1176 = arith.constant 0 : i32
      %dma_start3A_1177 = arith.constant 0 : i32
      %dma_start3A_1178 = tpu.memref_slice %arg5[%dma_start3A_1169, %dma_start3A_1176, %dma_start3A_1177] : memref<4x2x128xi32, #tpu.memory_space<vmem>> -> memref<1x2x128xi32, #tpu.memory_space<vmem>>
      %dma_start3A_1179 = tpu.memref_squeeze %dma_start3A_1178 : memref<1x2x128xi32, #tpu.memory_space<vmem>> -> memref<2x128xi32, #tpu.memory_space<vmem>>
      %dma_start3A_1180 = arith.constant 0 : i32
      %dma_start3A_1181 = tpu.memref_slice %arg2[%dma_start3A_1180, %multiple_of3A_1168] : memref<2x320768xi32, #tpu.memory_space<hbm>> -> memref<2x128xi32, #tpu.memory_space<hbm>>
      tpu.enqueue_dma source(%dma_start3A_1181 : memref<2x128xi32, #tpu.memory_space<hbm>>) target(%dma_start3A_1179 : memref<2x128xi32, #tpu.memory_space<vmem>>) target_semaphore(%arg17 : memref<!tpu.dma_semaphore, #tpu.memory_space<semaphore_mem>>)
      %dma_wait3A_1182 = arith.constant 1 : i32
      %dma_wait3A_1183 = arith.constant 0 : i32
      %dma_wait3A_1184 = arith.constant 0 : i32
      %dma_wait3A_1185 = tpu.memref_slice %arg5[%dma_wait3A_1182, %dma_wait3A_1183, %dma_wait3A_1184] : memref<4x2x128xi32, #tpu.memory_space<vmem>> -> memref<1x2x128xi32, #tpu.memory_space<vmem>>
      %dma_wait3A_1186 = tpu.memref_squeeze %dma_wait3A_1185 : memref<1x2x128xi32, #tpu.memory_space<vmem>> -> memref<2x128xi32, #tpu.memory_space<vmem>>
      %dma_wait3A_1187 = arith.constant 0 : i32
      %dma_wait3A_1188 = arith.constant 0 : i32
      %dma_wait3A_1189 = tpu.memref_slice %arg2[%dma_wait3A_1187, %dma_wait3A_1188] : memref<2x320768xi32, #tpu.memory_space<hbm>> -> memref<2x128xi32, #tpu.memory_space<hbm>>
      %dma_wait3A_1190 = arith.constant 0 : i32
      %dma_wait3A_1191 = arith.constant 0 : i32
      %dma_wait3A_1192 = tpu.memref_slice %arg5[%dma_wait3A_1182, %dma_wait3A_1190, %dma_wait3A_1191] : memref<4x2x128xi32, #tpu.memory_space<vmem>> -> memref<1x2x128xi32, #tpu.memory_space<vmem>>
      %dma_wait3A_1193 = tpu.memref_squeeze %dma_wait3A_1192 : memref<1x2x128xi32, #tpu.memory_space<vmem>> -> memref<2x128xi32, #tpu.memory_space<vmem>>
      %dma_wait3A_1194 = arith.constant 0 : i32
      %dma_wait3A_1195 = arith.constant 0 : i32
      %dma_wait3A_1196 = tpu.memref_slice %arg2[%dma_wait3A_1194, %dma_wait3A_1195] : memref<2x320768xi32, #tpu.memory_space<hbm>> -> memref<2x128xi32, #tpu.memory_space<hbm>>
      tpu.wait_dma2 semaphore(%arg15 : memref<!tpu.dma_semaphore, #tpu.memory_space<semaphore_mem>>) src(%dma_wait3A_1196 : memref<2x128xi32, #tpu.memory_space<hbm>>) dst(%dma_wait3A_1193 : memref<2x128xi32, #tpu.memory_space<vmem>>)
      %get3A_1197 = arith.constant 1 : i32
      %get3A_1198 = arith.constant 0 : i32
      %get3A_1199 = arith.index_cast %get3A_1197 : i32 to index
      %get3A_1200 = arith.index_cast %get3A_1198 : i32 to index
      %get3A_1201 = arith.constant 0 : index
      %get3A_1202 = tpu.vector_load %arg5[%get3A_1199, %get3A_1200, %get3A_1201] {strides = array<i32>} : memref<4x2x128xi32, #tpu.memory_space<vmem>>, vector<1x1x16xi32>,
      %get3A_1203 = vector.shape_cast %get3A_1202 : vector<1x1x16xi32> to vector<16xi32>
      %swap3A_1204 = arith.constant 0 : index
      %swap3A_1205 = tpu.vector_load %arg7[%swap3A_1204] {strides = array<i32>} : memref<128xi32, #tpu.memory_space<vmem>>, vector<16xi32>,
      %swap3A_1206 = vector.shape_cast %swap3A_1205 : vector<16xi32> to vector<16xi32>
      %swap3A_1207 = vector.shape_cast %get3A_1203 : vector<16xi32> to vector<16xi32>
      tpu.vector_store %arg7[%swap3A_1204], %swap3A_1207 {strides = array<i32>} : memref<128xi32, #tpu.memory_space<vmem>>, vector<16xi32>,
      %get3A_1208 = arith.constant 1 : i32
      %get3A_1209 = arith.constant 0 : i32
      %get3A_1210 = arith.index_cast %get3A_1208 : i32 to index
      %get3A_1211 = arith.index_cast %get3A_1209 : i32 to index
      %get3A_1212 = arith.constant 16 : index
      %get3A_1213 = tpu.vector_load %arg5[%get3A_1210, %get3A_1211, %get3A_1212] {strides = array<i32>} : memref<4x2x128xi32, #tpu.memory_space<vmem>>, vector<1x1x16xi32>,
      %get3A_1214 = vector.shape_cast %get3A_1213 : vector<1x1x16xi32> to vector<16xi32>
      %swap3A_1215 = arith.constant 16 : index
      %swap3A_1216 = tpu.vector_load %arg7[%swap3A_1215] {strides = array<i32>} : memref<128xi32, #tpu.memory_space<vmem>>, vector<16xi32>,
      %swap3A_1217 = vector.shape_cast %swap3A_1216 : vector<16xi32> to vector<16xi32>
      %swap3A_1218 = vector.shape_cast %get3A_1214 : vector<16xi32> to vector<16xi32>
      tpu.vector_store %arg7[%swap3A_1215], %swap3A_1218 {strides = array<i32>} : memref<128xi32, #tpu.memory_space<vmem>>, vector<16xi32>,
      %get3A_1219 = arith.constant 1 : i32
      %get3A_1220 = arith.constant 0 : i32
      %get3A_1221 = arith.index_cast %get3A_1219 : i32 to index
      %get3A_1222 = arith.index_cast %get3A_1220 : i32 to index
      %get3A_1223 = arith.constant 32 : index
      %get3A_1224 = tpu.vector_load %arg5[%get3A_1221, %get3A_1222, %get3A_1223] {strides = array<i32>} : memref<4x2x128xi32, #tpu.memory_space<vmem>>, vector<1x1x16xi32>,
      %get3A_1225 = vector.shape_cast %get3A_1224 : vector<1x1x16xi32> to vector<16xi32>
      %swap3A_1226 = arith.constant 32 : index
      %swap3A_1227 = tpu.vector_load %arg7[%swap3A_1226] {strides = array<i32>} : memref<128xi32, #tpu.memory_space<vmem>>, vector<16xi32>,
      %swap3A_1228 = vector.shape_cast %swap3A_1227 : vector<16xi32> to vector<16xi32>
      %swap3A_1229 = vector.shape_cast %get3A_1225 : vector<16xi32> to vector<16xi32>
      tpu.vector_store %arg7[%swap3A_1226], %swap3A_1229 {strides = array<i32>} : memref<128xi32, #tpu.memory_space<vmem>>, vector<16xi32>,
      %get3A_1230 = arith.constant 1 : i32
      %get3A_1231 = arith.constant 0 : i32
      %get3A_1232 = arith.index_cast %get3A_1230 : i32 to index
      %get3A_1233 = arith.index_cast %get3A_1231 : i32 to index
      %get3A_1234 = arith.constant 48 : index
      %get3A_1235 = tpu.vector_load %arg5[%get3A_1232, %get3A_1233, %get3A_1234] {strides = array<i32>} : memref<4x2x128xi32, #tpu.memory_space<vmem>>, vector<1x1x16xi32>,
      %get3A_1236 = vector.shape_cast %get3A_1235 : vector<1x1x16xi32> to vector<16xi32>
      %swap3A_1237 = arith.constant 48 : index
      %swap3A_1238 = tpu.vector_load %arg7[%swap3A_1237] {strides = array<i32>} : memref<128xi32, #tpu.memory_space<vmem>>, vector<16xi32>,
      %swap3A_1239 = vector.shape_cast %swap3A_1238 : vector<16xi32> to vector<16xi32>
      %swap3A_1240 = vector.shape_cast %get3A_1236 : vector<16xi32> to vector<16xi32>
      tpu.vector_store %arg7[%swap3A_1237], %swap3A_1240 {strides = array<i32>} : memref<128xi32, #tpu.memory_space<vmem>>, vector<16xi32>,
      %get3A_1241 = arith.constant 1 : i32
      %get3A_1242 = arith.constant 0 : i32
      %get3A_1243 = arith.index_cast %get3A_1241 : i32 to index
      %get3A_1244 = arith.index_cast %get3A_1242 : i32 to index
      %get3A_1245 = arith.constant 64 : index
      %get3A_1246 = tpu.vector_load %arg5[%get3A_1243, %get3A_1244, %get3A_1245] {strides = array<i32>} : memref<4x2x128xi32, #tpu.memory_space<vmem>>, vector<1x1x16xi32>,
      %get3A_1247 = vector.shape_cast %get3A_1246 : vector<1x1x16xi32> to vector<16xi32>
      %swap3A_1248 = arith.constant 64 : index
      %swap3A_1249 = tpu.vector_load %arg7[%swap3A_1248] {strides = array<i32>} : memref<128xi32, #tpu.memory_space<vmem>>, vector<16xi32>,
      %swap3A_1250 = vector.shape_cast %swap3A_1249 : vector<16xi32> to vector<16xi32>
      %swap3A_1251 = vector.shape_cast %get3A_1247 : vector<16xi32> to vector<16xi32>
      tpu.vector_store %arg7[%swap3A_1248], %swap3A_1251 {strides = array<i32>} : memref<128xi32, #tpu.memory_space<vmem>>, vector<16xi32>,
      %get3A_1252 = arith.constant 1 : i32
      %get3A_1253 = arith.constant 0 : i32
      %get3A_1254 = arith.index_cast %get3A_1252 : i32 to index
      %get3A_1255 = arith.index_cast %get3A_1253 : i32 to index
      %get3A_1256 = arith.constant 80 : index
      %get3A_1257 = tpu.vector_load %arg5[%get3A_1254, %get3A_1255, %get3A_1256] {strides = array<i32>} : memref<4x2x128xi32, #tpu.memory_space<vmem>>, vector<1x1x16xi32>,
      %get3A_1258 = vector.shape_cast %get3A_1257 : vector<1x1x16xi32> to vector<16xi32>
      %swap3A_1259 = arith.constant 80 : index
      %swap3A_1260 = tpu.vector_load %arg7[%swap3A_1259] {strides = array<i32>} : memref<128xi32, #tpu.memory_space<vmem>>, vector<16xi32>,
      %swap3A_1261 = vector.shape_cast %swap3A_1260 : vector<16xi32> to vector<16xi32>
      %swap3A_1262 = vector.shape_cast %get3A_1258 : vector<16xi32> to vector<16xi32>
      tpu.vector_store %arg7[%swap3A_1259], %swap3A_1262 {strides = array<i32>} : memref<128xi32, #tpu.memory_space<vmem>>, vector<16xi32>,
      %get3A_1263 = arith.constant 1 : i32
      %get3A_1264 = arith.constant 0 : i32
      %get3A_1265 = arith.index_cast %get3A_1263 : i32 to index
      %get3A_1266 = arith.index_cast %get3A_1264 : i32 to index
      %get3A_1267 = arith.constant 96 : index
      %get3A_1268 = tpu.vector_load %arg5[%get3A_1265, %get3A_1266, %get3A_1267] {strides = array<i32>} : memref<4x2x128xi32, #tpu.memory_space<vmem>>, vector<1x1x16xi32>,
      %get3A_1269 = vector.shape_cast %get3A_1268 : vector<1x1x16xi32> to vector<16xi32>
      %swap3A_1270 = arith.constant 96 : index
      %swap3A_1271 = tpu.vector_load %arg7[%swap3A_1270] {strides = array<i32>} : memref<128xi32, #tpu.memory_space<vmem>>, vector<16xi32>,
      %swap3A_1272 = vector.shape_cast %swap3A_1271 : vector<16xi32> to vector<16xi32>
      %swap3A_1273 = vector.shape_cast %get3A_1269 : vector<16xi32> to vector<16xi32>
      tpu.vector_store %arg7[%swap3A_1270], %swap3A_1273 {strides = array<i32>} : memref<128xi32, #tpu.memory_space<vmem>>, vector<16xi32>,
      %get3A_1274 = arith.constant 1 : i32
      %get3A_1275 = arith.constant 0 : i32
      %get3A_1276 = arith.index_cast %get3A_1274 : i32 to index
      %get3A_1277 = arith.index_cast %get3A_1275 : i32 to index
      %get3A_1278 = arith.constant 112 : index
      %get3A_1279 = tpu.vector_load %arg5[%get3A_1276, %get3A_1277, %get3A_1278] {strides = array<i32>} : memref<4x2x128xi32, #tpu.memory_space<vmem>>, vector<1x1x16xi32>,
      %get3A_1280 = vector.shape_cast %get3A_1279 : vector<1x1x16xi32> to vector<16xi32>
      %swap3A_1281 = arith.constant 112 : index
      %swap3A_1282 = tpu.vector_load %arg7[%swap3A_1281] {strides = array<i32>} : memref<128xi32, #tpu.memory_space<vmem>>, vector<16xi32>,
      %swap3A_1283 = vector.shape_cast %swap3A_1282 : vector<16xi32> to vector<16xi32>
      %swap3A_1284 = vector.shape_cast %get3A_1280 : vector<16xi32> to vector<16xi32>
      tpu.vector_store %arg7[%swap3A_1281], %swap3A_1284 {strides = array<i32>} : memref<128xi32, #tpu.memory_space<vmem>>, vector<16xi32>,
      %dma_start3A_1285 = arith.constant 0 : i32
      %dma_start3A_1286 = arith.constant 0 : i32
      %dma_start3A_1287 = tpu.memref_slice %arg3[%dma_start3A_1285, %dma_start3A_1286] : memref<10000x128xf32, #tpu.memory_space<hbm>> -> memref<10000x128xf32, #tpu.memory_space<hbm>>
      tpu.enqueue_indirect_dma source(%dma_start3A_1287 : memref<10000x128xf32, #tpu.memory_space<hbm>>) target(%arg10 : memref<128x128xf32, #tpu.memory_space<vmem>>) offsets(%arg7 : memref<128xi32, #tpu.memory_space<vmem>>) semaphore(%arg13 : memref<!tpu.dma_semaphore, #tpu.memory_space<semaphore_mem>>)
      %scan3A_1288 = arith.constant 0 : i32
      scf.yield %scan3A_1288 : i32
    }
    %scan3A_322 = arith.constant 20 : i32
    %dma_wait3A_323 = arith.constant 0 : i32
    %dma_wait3A_324 = arith.constant 0 : i32
    %dma_wait3A_325 = tpu.memref_slice %arg3[%dma_wait3A_323, %dma_wait3A_324] : memref<10000x128xf32, #tpu.memory_space<hbm>> -> memref<10000x128xf32, #tpu.memory_space<hbm>>
    tpu.wait_indirect_dma semaphore(%arg12 : memref<!tpu.dma_semaphore, #tpu.memory_space<semaphore_mem>>) src(%dma_wait3A_325 : memref<10000x128xf32, #tpu.memory_space<hbm>>) dst(%arg9 : memref<128x128xf32, #tpu.memory_space<vmem>>)
    %dma_wait3A_326 = arith.constant 0 : i32
    %dma_wait3A_327 = arith.constant 0 : i32
    %dma_wait3A_328 = tpu.memref_slice %arg3[%dma_wait3A_326, %dma_wait3A_327] : memref<10000x128xf32, #tpu.memory_space<hbm>> -> memref<10000x128xf32, #tpu.memory_space<hbm>>
    tpu.wait_indirect_dma semaphore(%arg13 : memref<!tpu.dma_semaphore, #tpu.memory_space<semaphore_mem>>) src(%dma_wait3A_328 : memref<10000x128xf32, #tpu.memory_space<hbm>>) dst(%arg10 : memref<128x128xf32, #tpu.memory_space<vmem>>)
    %dma_wait3A_329 = arith.constant 2 : i32
    %dma_wait3A_330 = arith.constant 0 : i32
    %dma_wait3A_331 = arith.constant 0 : i32
    %dma_wait3A_332 = tpu.memref_slice %arg5[%dma_wait3A_329, %dma_wait3A_330, %dma_wait3A_331] : memref<4x2x128xi32, #tpu.memory_space<vmem>> -> memref<1x2x128xi32, #tpu.memory_space<vmem>>
    %dma_wait3A_333 = tpu.memref_squeeze %dma_wait3A_332 : memref<1x2x128xi32, #tpu.memory_space<vmem>> -> memref<2x128xi32, #tpu.memory_space<vmem>>
    %dma_wait3A_334 = arith.constant 0 : i32
    %dma_wait3A_335 = arith.constant 0 : i32
    %dma_wait3A_336 = tpu.memref_slice %arg2[%dma_wait3A_334, %dma_wait3A_335] : memref<2x320768xi32, #tpu.memory_space<hbm>> -> memref<2x128xi32, #tpu.memory_space<hbm>>
    %dma_wait3A_337 = arith.constant 0 : i32
    %dma_wait3A_338 = arith.constant 0 : i32
    %dma_wait3A_339 = tpu.memref_slice %arg5[%dma_wait3A_329, %dma_wait3A_337, %dma_wait3A_338] : memref<4x2x128xi32, #tpu.memory_space<vmem>> -> memref<1x2x128xi32, #tpu.memory_space<vmem>>
    %dma_wait3A_340 = tpu.memref_squeeze %dma_wait3A_339 : memref<1x2x128xi32, #tpu.memory_space<vmem>> -> memref<2x128xi32, #tpu.memory_space<vmem>>
    %dma_wait3A_341 = arith.constant 0 : i32
    %dma_wait3A_342 = arith.constant 0 : i32
    %dma_wait3A_343 = tpu.memref_slice %arg2[%dma_wait3A_341, %dma_wait3A_342] : memref<2x320768xi32, #tpu.memory_space<hbm>> -> memref<2x128xi32, #tpu.memory_space<hbm>>
    tpu.wait_dma2 semaphore(%arg16 : memref<!tpu.dma_semaphore, #tpu.memory_space<semaphore_mem>>) src(%dma_wait3A_343 : memref<2x128xi32, #tpu.memory_space<hbm>>) dst(%dma_wait3A_340 : memref<2x128xi32, #tpu.memory_space<vmem>>)
    %dma_wait3A_344 = arith.constant 3 : i32
    %dma_wait3A_345 = arith.constant 0 : i32
    %dma_wait3A_346 = arith.constant 0 : i32
    %dma_wait3A_347 = tpu.memref_slice %arg5[%dma_wait3A_344, %dma_wait3A_345, %dma_wait3A_346] : memref<4x2x128xi32, #tpu.memory_space<vmem>> -> memref<1x2x128xi32, #tpu.memory_space<vmem>>
    %dma_wait3A_348 = tpu.memref_squeeze %dma_wait3A_347 : memref<1x2x128xi32, #tpu.memory_space<vmem>> -> memref<2x128xi32, #tpu.memory_space<vmem>>
    %dma_wait3A_349 = arith.constant 0 : i32
    %dma_wait3A_350 = arith.constant 0 : i32
    %dma_wait3A_351 = tpu.memref_slice %arg2[%dma_wait3A_349, %dma_wait3A_350] : memref<2x320768xi32, #tpu.memory_space<hbm>> -> memref<2x128xi32, #tpu.memory_space<hbm>>
    %dma_wait3A_352 = arith.constant 0 : i32
    %dma_wait3A_353 = arith.constant 0 : i32
    %dma_wait3A_354 = tpu.memref_slice %arg5[%dma_wait3A_344, %dma_wait3A_352, %dma_wait3A_353] : memref<4x2x128xi32, #tpu.memory_space<vmem>> -> memref<1x2x128xi32, #tpu.memory_space<vmem>>
    %dma_wait3A_355 = tpu.memref_squeeze %dma_wait3A_354 : memref<1x2x128xi32, #tpu.memory_space<vmem>> -> memref<2x128xi32, #tpu.memory_space<vmem>>
    %dma_wait3A_356 = arith.constant 0 : i32
    %dma_wait3A_357 = arith.constant 0 : i32
    %dma_wait3A_358 = tpu.memref_slice %arg2[%dma_wait3A_356, %dma_wait3A_357] : memref<2x320768xi32, #tpu.memory_space<hbm>> -> memref<2x128xi32, #tpu.memory_space<hbm>>
    tpu.wait_dma2 semaphore(%arg17 : memref<!tpu.dma_semaphore, #tpu.memory_space<semaphore_mem>>) src(%dma_wait3A_358 : memref<2x128xi32, #tpu.memory_space<hbm>>) dst(%dma_wait3A_355 : memref<2x128xi32, #tpu.memory_space<vmem>>)
    %barrier3A_359 = arith.constant 0 : index
    tpu.barrier barrier_id(%barrier3A_359)
    %mul3A_360 = arith.constant 624 : i32
    %mul3A_361 = arith.muli %arg1, %mul3A_360 : i32
    %mul3A_362 = arith.constant 624 : i32
    %mul3A_363 = arith.muli %arg1, %mul3A_362 : i32
    "tpu.region"() ({
      %run_scoped3A = tpu.sem_alloc : memref<!tpu.dma_semaphore, #tpu.memory_space<semaphore_mem>>
      %dma_start3A_369 = arith.constant 0 : i32
      %dma_start3A_370 = tpu.memref_slice %arg4[%arg0, %mul3A_363, %dma_start3A_369] : memref<2x10000x128xf32, #tpu.memory_space<hbm>> -> memref<1x624x128xf32, #tpu.memory_space<hbm>>
      %dma_start3A_371 = tpu.memref_squeeze %dma_start3A_370 : memref<1x624x128xf32, #tpu.memory_space<hbm>> -> memref<624x128xf32, #tpu.memory_space<hbm>>
      %dma_start3A_372 = arith.constant 0 : i32
      %dma_start3A_373 = tpu.memref_slice %arg11[%mul3A_361, %dma_start3A_372] : memref<10008x128xf32, #tpu.memory_space<vmem_shared>> -> memref<624x128xf32, #tpu.memory_space<vmem_shared>>
      tpu.enqueue_dma source(%dma_start3A_373 : memref<624x128xf32, #tpu.memory_space<vmem_shared>>) target(%dma_start3A_371 : memref<624x128xf32, #tpu.memory_space<hbm>>) target_semaphore(%run_scoped3A : memref<!tpu.dma_semaphore, #tpu.memory_space<semaphore_mem>>)
      %dma_wait3A_374 = arith.constant 0 : i32
      %dma_wait3A_375 = tpu.memref_slice %arg4[%arg0, %mul3A_363, %dma_wait3A_374] : memref<2x10000x128xf32, #tpu.memory_space<hbm>> -> memref<1x624x128xf32, #tpu.memory_space<hbm>>
      %dma_wait3A_376 = tpu.memref_squeeze %dma_wait3A_375 : memref<1x624x128xf32, #tpu.memory_space<hbm>> -> memref<624x128xf32, #tpu.memory_space<hbm>>
      %dma_wait3A_377 = arith.constant 0 : i32
      %dma_wait3A_378 = tpu.memref_slice %arg11[%mul3A_361, %dma_wait3A_377] : memref<10008x128xf32, #tpu.memory_space<vmem_shared>> -> memref<624x128xf32, #tpu.memory_space<vmem_shared>>
      tpu.wait_dma2 semaphore(%run_scoped3A : memref<!tpu.dma_semaphore, #tpu.memory_space<semaphore_mem>>) src(%dma_wait3A_378 : memref<624x128xf32, #tpu.memory_space<vmem_shared>>) dst(%dma_wait3A_376 : memref<624x128xf32, #tpu.memory_space<hbm>>)
      tpu.yield
    }) : () -> ()
    %eq3A_364 = arith.constant 15 : i32
    %eq3A_365 = arith.cmpi eq, %arg1, %eq3A_364 : i32
    %convert_element_type3A_366 = arith.extui %eq3A_365 : i1 to i32
    %cond3A_367 = arith.constant 0 : i32
    %cond3A_368 = arith.cmpi ne, %convert_element_type3A_366, %cond3A_367 : i32
    scf.if %cond3A_368 {
      "tpu.region"() ({
        %run_scoped3A = tpu.sem_alloc : memref<!tpu.dma_semaphore, #tpu.memory_space<semaphore_mem>>
        %dma_start3A_369 = arith.constant 9984 : i32
        %dma_start3A_370 = arith.constant 0 : i32
        %dma_start3A_371 = tpu.memref_slice %arg4[%arg0, %dma_start3A_369, %dma_start3A_370] : memref<2x10000x128xf32, #tpu.memory_space<hbm>> -> memref<1x16x128xf32, #tpu.memory_space<hbm>>
        %dma_start3A_372 = tpu.memref_squeeze %dma_start3A_371 : memref<1x16x128xf32, #tpu.memory_space<hbm>> -> memref<16x128xf32, #tpu.memory_space<hbm>>
        %dma_start3A_373 = arith.constant 9984 : i32
        %dma_start3A_374 = arith.constant 0 : i32
        %dma_start3A_375 = tpu.memref_slice %arg11[%dma_start3A_373, %dma_start3A_374] : memref<10008x128xf32, #tpu.memory_space<vmem_shared>> -> memref<16x128xf32, #tpu.memory_space<vmem_shared>>
        tpu.enqueue_dma source(%dma_start3A_375 : memref<16x128xf32, #tpu.memory_space<vmem_shared>>) target(%dma_start3A_372 : memref<16x128xf32, #tpu.memory_space<hbm>>) target_semaphore(%run_scoped3A : memref<!tpu.dma_semaphore, #tpu.memory_space<semaphore_mem>>)
        %dma_wait3A_376 = arith.constant 9984 : i32
        %dma_wait3A_377 = arith.constant 0 : i32
        %dma_wait3A_378 = tpu.memref_slice %arg4[%arg0, %dma_wait3A_376, %dma_wait3A_377] : memref<2x10000x128xf32, #tpu.memory_space<hbm>> -> memref<1x16x128xf32, #tpu.memory_space<hbm>>
        %dma_wait3A_379 = tpu.memref_squeeze %dma_wait3A_378 : memref<1x16x128xf32, #tpu.memory_space<hbm>> -> memref<16x128xf32, #tpu.memory_space<hbm>>
        %dma_wait3A_380 = arith.constant 9984 : i32
        %dma_wait3A_381 = arith.constant 0 : i32
        %dma_wait3A_382 = tpu.memref_slice %arg11[%dma_wait3A_380, %dma_wait3A_381] : memref<10008x128xf32, #tpu.memory_space<vmem_shared>> -> memref<16x128xf32, #tpu.memory_space<vmem_shared>>
        tpu.wait_dma2 semaphore(%run_scoped3A : memref<!tpu.dma_semaphore, #tpu.memory_space<semaphore_mem>>) src(%dma_wait3A_382 : memref<16x128xf32, #tpu.memory_space<vmem_shared>>) dst(%dma_wait3A_379 : memref<16x128xf32, #tpu.memory_space<hbm>>)
        tpu.yield
      }) : () -> ()
    } else {
    }
    return
  }
}

module attributes {stable_mosaic.version = 14 : i64} {
  func.func @_tc_dense(%arg0: memref<2x10000x128xf32, #tpu.memory_space<vmem>>, %arg1: memref<128x128xf32, #tpu.memory_space<vmem>>, %arg2: memref<1x128xf32, #tpu.memory_space<vmem>>, %arg3: memref<1x128xf32, #tpu.memory_space<vmem>>, %arg4: memref<1x128xf32, #tpu.memory_space<vmem>>, %arg5: memref<10000x128xf32, #tpu.memory_space<vmem>>) attributes {dimension_semantics = [], scalar_prefetch = 0 : i64, scratch_operands = 0 : i64, tpu.core_type = #tpu.core_type<tc>} {
    %get3A = arith.constant 0 : index
    %get3A_0 = arith.constant 0 : index
    %get3A_1 = arith.constant 0 : index
    %get3A_2 = vector.load %arg0[%get3A, %get3A_0, %get3A_1] : memref<2x10000x128xf32, #tpu.memory_space<vmem>>, vector<1x10000x128xf32>
    %get3A_3 = vector.shape_cast %get3A_2 : vector<1x10000x128xf32> to vector<10000x128xf32>
    %get3A_4 = arith.constant 1 : index
    %get3A_5 = arith.constant 0 : index
    %get3A_6 = arith.constant 0 : index
    %get3A_7 = vector.load %arg0[%get3A_4, %get3A_5, %get3A_6] : memref<2x10000x128xf32, #tpu.memory_space<vmem>>, vector<1x10000x128xf32>
    %get3A_8 = vector.shape_cast %get3A_7 : vector<1x10000x128xf32> to vector<10000x128xf32>
    %add3A = arith.addf %get3A_3, %get3A_8 : vector<10000x128xf32>
    %get3A_9 = arith.constant 0 : index
    %get3A_10 = arith.constant 0 : index
    %get3A_11 = vector.load %arg1[%get3A_9, %get3A_10] : memref<128x128xf32, #tpu.memory_space<vmem>>, vector<128x128xf32>
    %dot_general3A = arith.constant dense<0.000000e+00> : vector<10000x128xf32>
    %dot_general3A_12 = tpu.matmul %add3A, %get3A_11, %dot_general3A {dimension_numbers = #tpu.dot_dimension_numbers<[1], [1], [0], [0], [0, 0, 1, 0], [], []>, transpose_lhs_hint = false} : vector<10000x128xf32>, vector<128x128xf32>, vector<10000x128xf32> -> vector<10000x128xf32>
    %get3A_13 = arith.constant 0 : index
    %get3A_14 = arith.constant 0 : index
    %get3A_15 = vector.load %arg2[%get3A_13, %get3A_14] : memref<1x128xf32, #tpu.memory_space<vmem>>, vector<1x128xf32>
    %add3A_16 = vector.broadcast %get3A_15 : vector<1x128xf32> to vector<10000x128xf32>
    %add3A_17 = arith.addf %dot_general3A_12, %add3A_16 : vector<10000x128xf32>
    %max3A = arith.constant 0.000000e+00 : f32
    %max3A_18 = vector.broadcast %max3A : f32 to vector<10000x128xf32>
    %max3A_19 = arith.maximumf %add3A_17, %max3A_18 : vector<10000x128xf32>
    %reduce_sum3A = arith.constant dense<0.000000e+00> : vector<128xf32>
    %reduce_sum3A_20 = vector.multi_reduction <add>, %max3A_19, %reduce_sum3A [0] : vector<10000x128xf32> to vector<128xf32>
    %broadcast_in_dim3A = vector.shape_cast %reduce_sum3A_20 : vector<128xf32> to vector<1x128xf32>
    %div3A = arith.constant 1.000000e+04 : f32
    %div3A_21 = vector.broadcast %div3A : f32 to vector<1x128xf32>
    %div3A_22 = arith.divf %broadcast_in_dim3A, %div3A_21 : vector<1x128xf32>
    %sub3A = vector.broadcast %div3A_22 : vector<1x128xf32> to vector<10000x128xf32>
    %sub3A_23 = arith.subf %max3A_19, %sub3A : vector<10000x128xf32>
    %mul3A = arith.mulf %sub3A_23, %sub3A_23 : vector<10000x128xf32>
    %reduce_sum3A_24 = arith.constant dense<0.000000e+00> : vector<128xf32>
    %reduce_sum3A_25 = vector.multi_reduction <add>, %mul3A, %reduce_sum3A_24 [0] : vector<10000x128xf32> to vector<128xf32>
    %broadcast_in_dim3A_26 = vector.shape_cast %reduce_sum3A_25 : vector<128xf32> to vector<1x128xf32>
    %div3A_27 = arith.constant 1.000000e+04 : f32
    %div3A_28 = vector.broadcast %div3A_27 : f32 to vector<1x128xf32>
    %div3A_29 = arith.divf %broadcast_in_dim3A_26, %div3A_28 : vector<1x128xf32>
    %add3A_30 = arith.constant 9.99999974E-6 : f32
    %add3A_31 = vector.broadcast %add3A_30 : f32 to vector<1x128xf32>
    %add3A_32 = arith.addf %div3A_29, %add3A_31 : vector<1x128xf32>
    %rsqrt3A = math.rsqrt %add3A_32 : vector<1x128xf32>
    %mul3A_33 = vector.broadcast %rsqrt3A : vector<1x128xf32> to vector<10000x128xf32>
    %mul3A_34 = arith.mulf %sub3A_23, %mul3A_33 : vector<10000x128xf32>
    %get3A_35 = arith.constant 0 : index
    %get3A_36 = arith.constant 0 : index
    %get3A_37 = vector.load %arg3[%get3A_35, %get3A_36] : memref<1x128xf32, #tpu.memory_space<vmem>>, vector<1x128xf32>
    %mul3A_38 = vector.broadcast %get3A_37 : vector<1x128xf32> to vector<10000x128xf32>
    %mul3A_39 = arith.mulf %mul3A_34, %mul3A_38 : vector<10000x128xf32>
    %get3A_40 = arith.constant 0 : index
    %get3A_41 = arith.constant 0 : index
    %get3A_42 = vector.load %arg4[%get3A_40, %get3A_41] : memref<1x128xf32, #tpu.memory_space<vmem>>, vector<1x128xf32>
    %add3A_43 = vector.broadcast %get3A_42 : vector<1x128xf32> to vector<10000x128xf32>
    %add3A_44 = arith.addf %mul3A_39, %add3A_43 : vector<10000x128xf32>
    %swap3A = arith.constant 0 : index
    %swap3A_45 = arith.constant 0 : index
    %swap3A_46 = vector.load %arg5[%swap3A, %swap3A_45] : memref<10000x128xf32, #tpu.memory_space<vmem>>, vector<10000x128xf32>
    tpu.vector_store %arg5[%swap3A, %swap3A_45], %add3A_44 {strides = array<i32>} : memref<10000x128xf32, #tpu.memory_space<vmem>>, vector<10000x128xf32>,
    return
  }
}

</mosaic_0001>

<sc_bundles>
// kernel: kernel.4.cloned.1.call-start
scs
__scs_entry_jumppad:
0x0: {  	(pc) =	sbr.rel $0x88, $3  }
0x1: {  	(tag) =	ssettag $0x0;
	lr =	simm.s32 $0x1  }
0x2: {  	[smem:$0x3F9B] =	sst lr;
	_ =	strace $0xD0000000  }
0x3: {  	_ = 	snop  }
0x4: {  	_ = 	snop  }
0x5: {  	_ = 	snop  }
0x6: {  	_ = 	snop  }
0x7: {  	_ = 	snop  }
__scs_overlays_trampoline_lowered:
0x8: {  	[smem:$0x3FAA] =	sst s0  }
0x9: {  	[smem:$0x3FAB] =	sst s1  }
0xa: {  	[smem:$0x3FAC] =	sst s2  }
0xb: {  	[smem:$0x3FAD] =	sst s3  }
0xc: {  	[smem:$0x3FAE] =	sst s4  }
0xd: {  	[smem:$0x3FAF] =	sst s5  }
0xe: {  	[smem:$0x3FB0] =	sst s6  }
0xf: {  	[smem:$0x3FB1] =	sst s7  }
0x10: {  	[smem:$0x3FB2] =	sst s8  }
0x11: {  	[smem:$0x3FB3] =	sst s9;
	s0 =	simm.s32 @!p0 $0x0  }
0x12: {  	s1 =	sld [smem:$0x3F99];
	s0 =	simm.s32 @p0 $0x1  }
0x13: {  	[smem:$0x3FB4] =	sst s0;
	s0 =	simm.s32 @!p1 $0x0  }
0x14: {  	s2 =	sld [smem:$0x3F98];
	s0 =	simm.s32 @p1 $0x1  }
0x15: {  	[smem:$0x3FB5] =	sst s0;
	s0 =	simm.s32 @!p2 $0x0  }
0x16: {  	s3 =	sld [smem:$0x3FDB];
	s0 =	simm.s32 @p2 $0x1  }
0x17: {  	s4 =	simm.s32 $0x1BF5;
	[smem:$0x3FB7] =	sst s0  }
0x18: {  	s0 =	sld [smem:$0x3F9A];
	_ =	swait.ge [sflag:s4], $0x0  }
0x19: {  	s7 =	sld [smem:$0x3F9B]  }
0x1a: {  	s8 =	sadd.s32 $0xFFFFE003, lr  }
0x1b: {  	s9 =	sadd.s32 $0xFFFFFEF7, lr;
	s5 =	simm.s32 $0xFFFFFFFF;
	p2 =	slt.u32 s8, $0xFFFFF086  }
0x1c: {  	p1 =	slt.u32 s9, $0xF7A;
	s5 =	simm.s32 @!p2 $0x0  }
0x1d: {  	s5 =	simm.s32 @p1 $0x1;
	p0 =	seq.s32 s7, s2  }
0x1e: {  	s7 =	smul.u32 @!p0 $0xF7A, s2;
	p2 =	seq.s32 @!p0 s5, $0x0  }
0x1f: {  	s9 =	smul.u32 $0xF7A, s1;
	s8 =	simm.s32 @!p0 $0x1BF5;
	p2 =	por !p2, p0  }
0x20: {  	[sflag:s8] =	ssyncset.s32 @!p0 $0xFFFFF086;
	s6 =	sadd.s32 @!p0 s3, s7;
	s7 =	simm.s32 @!p0 $0x108  }
0x21: {  	s3 =	sadd.s32 s3, s9;
	s6 =	sadd.s32 @!p0 $0x88, s6;
	s7 =	simm.s32 @p2 $0x1082  }
0x22: {  	[simem:s7], [sflag:s8] =	dma.local @!p0 [hbm:s6], $0xF7A  }
0x23: {  	s9 =	sor.u32 $0xD0000000, s2;
	s6 =	simm.s32 $0x108;
	_ =	swait.ge @!p0 [sflag:s8], $0x0  }
0x24: {  	s3 =	sadd.s32 $0x88, s3;
	s6 =	simm.s32 @!p1 $0x1082;
	[sflag:s4] =	ssyncset.s32 $0xFFFFF086  }
0x25: {  	[simem:s6], [sflag:s4] =	dma.local [hbm:s3], $0xF7A  }
0x26: {  	[smem:$0x3F9B] =	sst s1;
	(tag) =	ssettag s2;
	_ =	strace s9  }
0x27: {  	s1 =	sld [smem:$0x3FAB]  }
0x28: {  	s2 =	sld [smem:$0x3FAC]  }
0x29: {  	s4 =	sld [smem:$0x3FAE]  }
0x2a: {  	p0 =	seq.s32 s5, $0x0;
	s5 =	sld [smem:$0x3FAF]  }
0x2b: {  	s6 =	sld [smem:$0x3FB0]  }
0x2c: {  	s7 =	sld [smem:$0x3FB1]  }
0x2d: {  	s3 =	simm.s32 $0x108;
	s8 =	sld [smem:$0x3FB2]  }
0x2e: {  	s3 =	simm.s32 @!p0 $0x1082;
	s9 =	sld [smem:$0x3FB3]  }
0x2f: {  	lr =	sadd.s32 s0, s3;
	s0 =	sld [smem:$0x3FAA]  }
0x30: {  	s3 =	sld [smem:$0x3FAD]  }
0x31: {  	[smem:$0x3FB6] =	sst s10  }
0x32: {  	s10 =	sld [smem:$0x3FB4];
	_ =	sdelay $0x3  }
0x33: {  	p0 =	seq.s32 s10, $0x1;
	s10 =	sld [smem:$0x3FB6];
	_ =	sdelay $0x3  }
0x34: {  	[smem:$0x3FB6] =	sst s10  }
0x35: {  	s10 =	sld [smem:$0x3FB5];
	_ =	sdelay $0x3  }
0x36: {  	p1 =	seq.s32 s10, $0x1;
	s10 =	sld [smem:$0x3FB6];
	_ =	sdelay $0x3  }
0x37: {  	[smem:$0x3FB6] =	sst s10  }
0x38: {  	s10 =	sld [smem:$0x3FB7]  }
0x39: {  	_ = 	snop;
	(pc) =	sbr.ind lr, $3  }
0x3a: {  	_ = 	snop  }
0x3b: {  	_ = 	snop  }
0x3c: {  	p2 =	seq.s32 s10, $0x1;
	s10 =	sld [smem:$0x3FB6]  }
0x3d: {  	_ =	shalt  }
0x3e: {  	_ =	shalt  }
0x3f: {  	_ =	shalt  }
0x40: {  	_ =	shalt  }
0x41: {  	_ =	shalt  }
0x42: {  	_ =	shalt  }
0x43: {  	_ =	shalt  }
0x44: {  	_ =	shalt  }
0x45: {  	_ =	shalt  }
0x46: {  	_ =	shalt  }
0x47: {  	_ =	shalt  }
0x48: {  	_ =	shalt  }
0x49: {  	_ =	shalt  }
0x4a: {  	_ =	shalt  }
0x4b: {  	_ =	shalt  }
0x4c: {  	_ =	shalt  }
0x4d: {  	_ =	shalt  }
0x4e: {  	_ =	shalt  }
0x4f: {  	_ =	shalt  }
0x50: {  	_ =	shalt  }
0x51: {  	_ =	shalt  }
0x52: {  	_ =	shalt  }
0x53: {  	_ =	shalt  }
0x54: {  	_ =	shalt  }
0x55: {  	_ =	shalt  }
0x56: {  	_ =	shalt  }
0x57: {  	_ =	shalt  }
0x58: {  	_ =	shalt  }
0x59: {  	_ =	shalt  }
0x5a: {  	_ =	shalt  }
0x5b: {  	_ =	shalt  }
0x5c: {  	_ =	shalt  }
0x5d: {  	_ =	shalt  }
0x5e: {  	_ =	shalt  }
0x5f: {  	_ =	shalt  }
0x60: {  	_ =	shalt  }
0x61: {  	_ =	shalt  }
0x62: {  	_ =	shalt  }
0x63: {  	_ =	shalt  }
0x64: {  	_ =	shalt  }
0x65: {  	_ =	shalt  }
0x66: {  	_ =	shalt  }
0x67: {  	_ =	shalt  }
0x68: {  	_ =	shalt  }
0x69: {  	_ =	shalt  }
0x6a: {  	_ =	shalt  }
0x6b: {  	_ =	shalt  }
0x6c: {  	_ =	shalt  }
0x6d: {  	_ =	shalt  }
0x6e: {  	_ =	shalt  }
0x6f: {  	_ =	shalt  }
0x70: {  	_ =	shalt  }
0x71: {  	_ =	shalt  }
0x72: {  	_ =	shalt  }
0x73: {  	_ =	shalt  }
0x74: {  	_ =	shalt  }
0x75: {  	_ =	shalt  }
0x76: {  	_ =	shalt  }
0x77: {  	_ =	shalt  }
0x78: {  	_ =	shalt  }
0x79: {  	_ =	shalt  }
0x7a: {  	_ =	shalt  }
0x7b: {  	_ =	shalt  }
0x7c: {  	_ =	shalt  }
0x7d: {  	_ =	shalt  }
0x7e: {  	_ =	shalt  }
0x7f: {  	_ =	shalt  }
0x80: {  	_ =	shalt  }
0x81: {  	_ =	shalt  }
0x82: {  	_ =	shalt  }
0x83: {  	_ =	shalt  }
0x84: {  	_ =	shalt  }
0x85: {  	_ =	shalt  }
0x86: {  	_ =	shalt  }
0x87: {  	_ =	shalt  }
.Lfunc_end0:
.L_simem_size_0:
called_computation_lowered:
.L_overlay_start_0:
0x88: {  	s2 =	sld [smem:$0x3FD9]  }
0x89: {  	s3 =	sld [smem:$0x3FFE];
	_ =	sdelay $0x1  }
0x8a: {  	s1 =	srdreg.scid  }
0x8b: {  	s0 =	sand.u32 $0x1, s1  }
0x8c: {  	s17 =	sshll.u32 s0, $0xA;
	s2 =	sadd.s32 s3, s2  }
0x8d: {  	s2 =	sadd.s32 s2, s17  }
0x8e: {  	[smem:$0x3FC2] =	sst s2  }
0x8f: {  	_ = 	snop  }
0x90: {  	s2 =	sld [smem:$0x3FC9]  }
0x91: {  	s18 =	sld [smem:$0x3FD0];
	(tm) =	ssettm $0x1  }
0x92: {  	s4 =	sld [smem:$0x3FFB];
	_ =	sdelay $0x3  }
0x93: {  	_ =	strace s4  }
0x94: {  	s4 =	sld [smem:$0x3FFC];
	_ =	sdelay $0x3  }
0x95: {  	_ =	strace s4  }
0x96: {  	s4 =	sld [smem:$0x3FFD];
	_ =	sdelay $0x3  }
0x97: {  	_ =	strace s4  }
0x98: {  	_ =	strace $0x8FFFFFFF  }
0x99: {  	s19 =	sld [smem:$0x3FDB];
	_ =	sdelay $0x1  }
0x9a: {  	s5 =	simm.s32 $_scs_section_size  }
0x9b: {  	s6 =	simm.s32 $_size__tile_overlayer_lowered;
	s7 =	simm.s32 $_tile_overlayer_lowered  }
0x9c: {  	s22 =	simm.s32 $0x1BFF;
	s21 =	sshll.u32 s7, $0x1;
	s4 =	sadd.s32 s5, s19  }
0x9d: {  	s8 =	simm.s32 $0x0;
	s20 =	sshll.u32 s6, $0x1;
	s6 =	sadd.s32 s21, s4  }
0x9e: {  	[timem:s8], [sflag:s22] =	dma.local [hbm:s6], s20  }
0x9f: {  	_ =	swait.ge [sflag:s22], s20  }
0xa0: {  	s5 =	ssub.s32 $0x0, s20;
	[sflag:s22] =	ssyncset.done $0x0  }
0xa1: {  	[sflag:s22] =	ssyncadd.s32 s5;
	_ =	sdelay $0x1  }
0xa2: {  	s23 =	simm.s32 $0x1B8B  }
0xa3: {  	_ =	swait.ge [sflag:s23], $0x1  }
0xa4: {  	[sflag:s23] =	ssyncset.done $0x0  }
0xa5: {  	s25 =	simm.s32 $0x1B8E;
	s24 =	sld [smem:$0x3FFE];
	[sflag:s23] =	ssyncadd.s32 $0xFFFFFFFF  }
0xa6: {  	s26 =	simm.s32 $execute0_lowered;
	[smem:$0x3FD2] =	sst s25  }
0xa7: {  	s6 =	sshll.u32 s26, $0x1;
	_ =	strace $0x80000046;
	[dreg:$0x1] =	wrdreg $0xFFFFFFFF  }
0xa8: {  	s28 =	simm.s32 $_size_execute0_lowered;
	s4 =	sadd.s32 s4, s6;
	[dreg:$0x0] =	wrdreg $0x0  }
0xa9: {  	s6 =	sshll.u32 s28, $0x1;
	[dreg:$0x2] =	wrdreg s4  }
0xaa: {  	[dreg:$0x3] =	wrdreg s6  }
0xab: {  	[dreg:$0x4] =	wrdreg $0xC0  }
0xac: {  	_ =	task [dreg:s8], $0x5FFFF  }
0xad: {  	[dreg:$0x1] =	wrdreg $0xFFFFFFFF  }
0xae: {  	[dreg:$0x0] =	wrdreg $0x60  }
0xaf: {  	[dreg:$0x2] =	wrdreg s18  }
0xb0: {  	[dreg:$0x3] =	wrdreg s2  }
0xb1: {  	[dreg:$0x4] =	wrdreg s24  }
0xb2: {  	[dreg:$0x5] =	wrdreg $0x85800  }
0xb3: {  	[dreg:$0x6] =	wrdreg $0x9  }
0xb4: {  	_ =	task.clear_ibuf [dreg:s8], $0x7FFFF;
	_ =	strace $0x90000046  }
0xb5: {  	s29 =	simm.s32 $0x9;
	_ =	strace $0x80000048  }
0xb6: {  	_ =	swait.ge [sflag:s29], $0x1  }
0xb7: {  	[sflag:s29] =	ssyncadd.s32 $0xFFFFFFFF  }
0xb8: {  	_ =	strace $0x90000048  }
0xb9: {  	_ =	sfence  }
0xba: {  	s30 =	sld [smem:$0x0];
	_ =	sdelay $0x2  }
0xbb: {  	s31 =	sshll.u32 s1, $0xD;
	s1 =	sshrl.u32 s1, $0x2  }
0xbc: {  	s3 =	sand.u32 $0x4000, s31;
	s1 =	sadd.s32 s1, s30  }
0xbd: {  	s0 =	sor.u32 s3, s0;
	s1 =	sshll.u32 s1, $0x11  }
0xbe: {  	s0 =	sor.u32 s1, s0  }
0xbf: {  	s0 =	sadd.s32 $0x8F2B, s0  }
0xc0: {  	[sflag:s0] =	ssyncadd.remote.s32 $0x1  }
0xc1: {  	_ =	sfence.sel $0xFFFF  }
0xc2: {  	[dreg:$0x0] =	wrdreg $0xFFFFFFFF;
	(pc) =	sbr.abs _section_cstart, $3  }
0xc3: {  	[dreg:$0x1] =	wrdreg $0xFFFFFFFF  }
0xc4: {  	_ =	task.clear_ibuf [dreg:s8], $0x2FFFF;
	_ =	strace $0x9FFFFFFF  }
0xc5: {  	(tm) =	ssettm $0x7FFFFFFF  }
tec
execute0_lowered:
.L_overlay_start_1:
0x0: {  	(tag) =	ssettag $0x1  }
0x1: {  	s0 =	rddreg [dreg:$0x0]  }
0x2: {  	s1 =	rddreg [dreg:$0x1]  }
0x3: {  	s4 =	rddreg [dreg:$0x2]  }
0x4: {  	s2 =	rddreg [dreg:$0x3];
	s3 =	simm.s32 $0x0;
	s5 =	srdreg.scid  }
0x5: {  	s17 =	stileid.u32;
	s28 =	simm.s32 $0x200;
	s29 =	simm.s32 $0x300  }
0x6: {  	s30 =	simm.s32 $0x3;
	s31 =	simm.s32 $0x80;
	[smem:$0x7FF] =	sst s3  }
0x7: {  	s6 =	sand.u32 $0x1, s5;
	s8 =	sshll.u32 s17, $0x1;
	s9 =	smul.u32 $0x4E000, s17  }
0x8: {  	s4 =	sadd.s32 $0xE00, s4;
	p0 =	slt.u32 s17, $0x2;
	s21 =	smul.u32 $0x13800, s17  }
0x9: {  	_ =	strace $0x80000047;
	s5 =	ssub.s32 $0x2, s6;
	s13 =	smul.u32 $0x138800, s6  }
0xa: {  	s14 =	sor.u32 s6, s8;
	s6 =	smul.u32 $0x4E, s6;
	s7 =	sshrl.u32 s5, $0x1  }
0xb: {  	s8 =	smul.u32 $0x4E, s14;
	s12 =	smin.u32 s14, $0x4;
	s15 =	sshrl.u32 s9, $0x2  }
0xc: {  	s9 =	simm.s32 $0x4F;
	s14 =	smul.u32 $0x9C, s17;
	s7 =	ssub.s32 s5, s7  }
0xd: {  	s5 =	sadd.s32 s15, s2;
	s9 =	simm.s32 @!p0 $0x4E;
	s22 =	sshrl.u32 s13, $0x3  }
0xe: {  	p0 =	sne.s32 s17, $0xF;
	s17 =	simm.s32 $0x0;
	s10 =	sadd.s32 $0x4000, s5  }
0xf: {  	s8 =	sadd.s32 s12, s8;
	s16 =	sadd.s32 $0x8000, s5;
	[dreg:$0x5] =	wrdreg s10  }
0x10: {  	s18 =	sadd.s32 $0xC000, s5;
	s19 =	sadd.s32 $0x10000, s5;
	[dreg:$0x6] =	wrdreg s16  }
0x11: {  	s6 =	sadd.s32 s6, s14;
	s23 =	smax.u32 s7, $0x1;
	[dreg:$0x7] =	wrdreg s18  }
0x12: {  	s7 =	simm.s32 $0x4580;
	s14 =	simm.s32 $0x6;
	[dreg:$0x8] =	wrdreg s19  }
0x13: {  	s8 =	sshll.u32 s8, $0x5;
	s10 =	sadd.s32 $0x138000, s2;
	s16 =	sadd.s32 $0xFFFFFFFD, s9  }
0x14: {  	s6 =	sadd.s32 s12, s6;
	[dreg:$0xe] =	wrdreg s23;
	s11 =	sadd.s32 s0, s8  }
0x15: {  	s12 =	simm.s32 $0x5;
	s6 =	sshll.u32 s6, $0x5;
	s8 =	sadd.s32 $0x20, s11  }
0x16: {  	s20 =	sadd.s32 $0x40, s11;
	s15 =	sadd.s32 $0x60, s11;
	[dreg:$0x9] =	wrdreg s8  }
0x17: {  	s0 =	sadd.s32 s6, s0;
	s6 =	simm.s32 $0x480;
	[dreg:$0xa] =	wrdreg s20  }
0x18: {  	[dreg:$0xb] =	wrdreg s15;
	s15 =	sadd.s32 $0xFFFFFFFE, s9;
	s8 =	sadd.s32 s21, s13  }
0x19: {  	s24 =	sadd.s32 $0xE0, s0;
	s25 =	sadd.s32 $0xC0, s0;
	s26 =	sadd.s32 $0xA0, s0  }
0x1a: {  	s19 =	sadd.s32 $0x80, s0;
	s0 =	simm.s32 $0x400;
	[dreg:$0xf] =	wrdreg s24  }
0x1b: {  	s9 =	simm.s32 $0x500;
	s13 =	simm.s32 $0x2;
	[dreg:$0x10] =	wrdreg s25  }
0x1c: {  	s8 =	sshrl.u32 s8, $0x3;
	[dreg:$0x11] =	wrdreg s26;
	s24 =	simm.s32 $0x580  }
0x1d: {  	s25 =	simm.s32 $0x7;
	s8 =	sadd.s32 s4, s8;
	s4 =	sadd.s32 s4, s22  }
0x1e: {  	s26 =	simm.s32 $0x100;
	[dreg:$0xc] =	wrdreg s8;
	s4 =	sadd.s32 $0x27000, s4  }
0x1f: {  	v0 =	vimm.f32 $0.0e+00;
	s8 =	simm.s32 $0x1;
	[dreg:$0xd] =	wrdreg s4;
	s4 =	simm.s32 $0x4  }
.LBB2_1:
0x20: {  	s18 =	simm.s32 $0x0;
	s20 =	simm.s32 $0x200  }
.LBB2_2:
0x21: {  	p1 =	sne.s32 s20, $0xFE00;
	[tilespmem:s18+$0x5F0] =	vst v0  }
0x22: {  	[tilespmem:s18+$0x580] =	vst v0  }
0x23: {  	[tilespmem:s18+$0x590] =	vst v0  }
.Ltmp0:
0x24: {  	[tilespmem:s18+$0x5A0] =	vst v0;
	(pc) =	sbr.rel @p1 .LBB2_2-.Ltmp0, $4  }
0x25: {  	[tilespmem:s18+$0x5B0] =	vst v0  }
0x26: {  	[tilespmem:s18+$0x5C0] =	vst v0  }
0x27: {  	[tilespmem:s18+$0x5D0] =	vst v0  }
0x28: {  	[tilespmem:s18+$0x5E0] =	vst v0;
	s18 =	sshra.s32 s20, $0x2;
	s20 =	sadd.s32 $0x200, s20  }
0x29: {  	[tilespmem:s18+$0x5F0] =	vst v0  }
0x2a: {  	[tilespmem:s18+$0x580] =	vst v0  }
0x2b: {  	[tilespmem:s18+$0x590] =	vst v0  }
0x2c: {  	[tilespmem:s18+$0x5A0] =	vst v0  }
0x2d: {  	[tilespmem:s18+$0x5B0] =	vst v0  }
0x2e: {  	[tilespmem:s18+$0x5C0] =	vst v0  }
0x2f: {  	[tilespmem:s18+$0x5D0] =	vst v0  }
0x30: {  	[tilespmem:s18+$0x5E0] =	vst v0  }
0x31: {  	[spmem:s5] =	stream.linear.scatter [tilespmem:s24], [sflag:$0x7], $0x4000, $0x38;
	[tilespmem:$0x1BE40] =	vst v63  }
0x32: {  	_ =	swait.ge [sflag:s25], $0x4000  }
0x33: {  	[sflag:s25] =	ssyncset.done $0x0  }
0x34: {  	s22 =	rddreg [dreg:$0x5];
	[sflag:s25] =	ssyncadd.s32 $0xFFFFC000  }
0x35: {  	[spmem:s22] =	stream.linear.scatter [tilespmem:s24], [sflag:$0x7], $0x4000, $0x38;
	[tilespmem:$0x1BE40] =	vst v63  }
0x36: {  	_ =	swait.ge [sflag:s25], $0x4000  }
0x37: {  	[sflag:s25] =	ssyncset.done $0x0  }
0x38: {  	s23 =	rddreg [dreg:$0x6];
	[sflag:s25] =	ssyncadd.s32 $0xFFFFC000  }
0x39: {  	[spmem:s23] =	stream.linear.scatter [tilespmem:s24], [sflag:$0x7], $0x4000, $0x38;
	[tilespmem:$0x1BE40] =	vst v63  }
0x3a: {  	_ =	swait.ge [sflag:s25], $0x4000  }
0x3b: {  	[sflag:s25] =	ssyncset.done $0x0  }
0x3c: {  	s20 =	rddreg [dreg:$0x7];
	[sflag:s25] =	ssyncadd.s32 $0xFFFFC000  }
0x3d: {  	[spmem:s20] =	stream.linear.scatter [tilespmem:s24], [sflag:$0x7], $0x4000, $0x38;
	[tilespmem:$0x1BE40] =	vst v63  }
0x3e: {  	_ =	swait.ge [sflag:s25], $0x4000  }
0x3f: {  	[sflag:s25] =	ssyncset.done $0x0  }
0x40: {  	s21 =	rddreg [dreg:$0x8];
	[sflag:s25] =	ssyncadd.s32 $0xFFFFC000  }
0x41: {  	[spmem:s21] =	stream.linear.scatter [tilespmem:s24], [sflag:$0x7], $0x3800, $0x38;
	[tilespmem:$0x1BE40] =	vst v63  }
0x42: {  	_ =	swait.ge [sflag:s25], $0x3800  }
0x43: {  	[sflag:s25] =	ssyncset.done $0x0  }
0x44: {  	s18 =	simm.s32 @!p0 $0x580;
	[sflag:s25] =	ssyncadd.s32 $0xFFFFC800  }
0x45: {  	[spmem:s10] =	stream.linear.scatter @!p0 [tilespmem:s18], [sflag:$0x7], $0x800, $0x38;
	[tilespmem:$0x1BE40] =	vst v63  }
0x46: {  	s18 =	simm.s32 @!p0 $0x7  }
0x47: {  	_ =	swait.ge @!p0 [sflag:s18], $0x800  }
0x48: {  	[sflag:s18] =	ssyncset.done @!p0 $0x0  }
0x49: {  	[sflag:s18] =	ssyncadd.s32 @!p0 $0xFFFFF800  }
0x4a: {  	s18 =	simm.s32 $0x0;
	[bflag:$0x0] =	sbarrier.arrive $0xFFFF  }
0x4b: {  	[tilespmem:s18], [sflag:$0x3] =	stream.linear.gather [hbm4b:s11+s18], $0x100, $0x38;
	[tilespmem:$0x1BE40] =	vst v63  }
0x4c: {  	s20 =	rddreg [dreg:$0x9]  }
0x4d: {  	[tilespmem:s26], [sflag:$0x4] =	stream.linear.gather [hbm4b:s20+s18], $0x100, $0x38;
	[tilespmem:$0x1BE40] =	vst v63  }
0x4e: {  	s22 =	rddreg [dreg:$0xa]  }
0x4f: {  	[tilespmem:s28], [sflag:$0x5] =	stream.linear.gather [hbm4b:s22+s18], $0x100, $0x38;
	[tilespmem:$0x1BE40] =	vst v63  }
0x50: {  	s23 =	rddreg [dreg:$0xb]  }
0x51: {  	[tilespmem:s29], [sflag:$0x6] =	stream.linear.gather [hbm4b:s23+s18], $0x100, $0x38;
	[tilespmem:$0x1BE40] =	vst v63  }
0x52: {  	_ =	swait.ge [sflag:s30], $0x100  }
0x53: {  	[sflag:s30] =	ssyncset.done $0x0  }
0x54: {  	[sflag:s30] =	ssyncadd.s32 $0xFFFFFF00  }
0x55: {  	v1 =	vld [tilespmem:$0x0]  }
0x56: {  	v2 =	vld [tilespmem:$0x10]  }
0x57: {  	v3 =	vld [tilespmem:$0x20]  }
0x58: {  	v4 =	vld [tilespmem:$0x30]  }
0x59: {  	v5 =	vld [tilespmem:$0x40]  }
0x5a: {  	[tilespmem:$0x400] =	vst v1;
	v1 =	vld [tilespmem:$0x50]  }
0x5b: {  	[tilespmem:$0x410] =	vst v2;
	v2 =	vld [tilespmem:$0x60]  }
0x5c: {  	[tilespmem:$0x420] =	vst v3;
	v3 =	vld [tilespmem:$0x70]  }
0x5d: {  	[tilespmem:$0x430] =	vst v4  }
0x5e: {  	[tilespmem:$0x440] =	vst v5  }
0x5f: {  	[tilespmem:$0x450] =	vst v1  }
0x60: {  	[tilespmem:$0x460] =	vst v2  }
0x61: {  	[tilespmem:$0x470] =	vst v3  }
0x62: {  	[tilespmem:s24], [sflag:$0x1] =	stream.indirect.gather [hbm4b:s1+s31], $0x80, s0, s31, $0xb8;
	[tilespmem:$0x1BE40] =	vst v63  }
0x63: {  	_ =	swait.ge [sflag:s4], $0x100  }
0x64: {  	[sflag:s4] =	ssyncset.done $0x0  }
0x65: {  	[sflag:s4] =	ssyncadd.s32 $0xFFFFFF00  }
0x66: {  	v1 =	vld [tilespmem:$0x100]  }
0x67: {  	v2 =	vld [tilespmem:$0x110]  }
0x68: {  	v3 =	vld [tilespmem:$0x120]  }
0x69: {  	v62 =	vld [tilespmem:$0x130]  }
0x6a: {  	v63 =	vld [tilespmem:$0x140]  }
0x6b: {  	[tilespmem:$0x480] =	vst v1;
	v1 =	vld [tilespmem:$0x150]  }
0x6c: {  	[tilespmem:$0x490] =	vst v2;
	v2 =	vld [tilespmem:$0x160]  }
0x6d: {  	[tilespmem:$0x4A0] =	vst v3;
	v3 =	vld [tilespmem:$0x170]  }
0x6e: {  	[tilespmem:$0x4B0] =	vst v62  }
0x6f: {  	[tilespmem:$0x4C0] =	vst v63  }
0x70: {  	s22 =	rddreg [dreg:$0x11];
	[tilespmem:$0x4D0] =	vst v1  }
0x71: {  	s21 =	rddreg [dreg:$0x10];
	[tilespmem:$0x4E0] =	vst v2  }
0x72: {  	s23 =	smov.u32 s19;
	s20 =	rddreg [dreg:$0xf];
	[tilespmem:$0x4F0] =	vst v3  }
0x73: {  	[tilespmem:s7], [sflag:$0x2] =	stream.indirect.gather [hbm4b:s1+s31], $0x80, s6, s31, $0xb8;
	[tilespmem:$0x1BE40] =	vst v63  }
.LBB2_4:
0x74: {  	_ =	swait.ge [sflag:s8], $0x4000  }
0x75: {  	[sflag:s8] =	ssyncset.done $0x0  }
0x76: {  	[sflag:s8] =	ssyncadd.s32 $0xFFFFC000  }
0x77: {  	v1 =	vld [tilespmem:$0x80]  }
0x78: {  	v2 =	vld [tilespmem:$0x90]  }
0x79: {  	v3 =	vld [tilespmem:$0xA0]  }
0x7a: {  	v4 =	vld [tilespmem:$0xB0]  }
0x7b: {  	v5 =	vld [tilespmem:$0xC0]  }
0x7c: {  	[tilespmem:$0x500] =	vst v1;
	v1 =	vld [tilespmem:$0xD0]  }
0x7d: {  	[tilespmem:$0x510] =	vst v2;
	v2 =	vld [tilespmem:$0xE0]  }
0x7e: {  	[tilespmem:$0x520] =	vst v3;
	v3 =	vld [tilespmem:$0xF0]  }
0x7f: {  	[tilespmem:$0x530] =	vst v4  }
0x80: {  	[tilespmem:$0x540] =	vst v5  }
0x81: {  	[tilespmem:$0x550] =	vst v1  }
0x82: {  	[tilespmem:$0x560] =	vst v2  }
0x83: {  	[tilespmem:$0x570] =	vst v3  }
0x84: {  	[spmem:s2] =	stream.indirect.scatter.add.f32 [tilespmem:s24], [sflag:$0x7], $0x80, s9, s31, $0xb8;
	[tilespmem:$0x1BE40] =	vst v63  }
0x85: {  	_ =	swait.ge [sflag:s25], $0x4000  }
0x86: {  	[sflag:s25] =	ssyncset.done $0x0  }
0x87: {  	[sflag:s25] =	ssyncadd.s32 $0xFFFFC000  }
0x88: {  	[tilespmem:s3], [sflag:$0x3] =	stream.linear.gather [hbm4b:s23+s3], $0x100, $0x38;
	[tilespmem:$0x1BE40] =	vst v63  }
0x89: {  	_ =	swait.ge [sflag:s12], $0x100  }
0x8a: {  	[sflag:s12] =	ssyncset.done $0x0  }
0x8b: {  	[sflag:s12] =	ssyncadd.s32 $0xFFFFFF00  }
0x8c: {  	v1 =	vld [tilespmem:$0x200]  }
0x8d: {  	v2 =	vld [tilespmem:$0x210]  }
0x8e: {  	v3 =	vld [tilespmem:$0x220]  }
0x8f: {  	v49 =	vld [tilespmem:$0x230]  }
0x90: {  	v50 =	vld [tilespmem:$0x240]  }
0x91: {  	[tilespmem:$0x400] =	vst v1;
	v1 =	vld [tilespmem:$0x250]  }
0x92: {  	[tilespmem:$0x410] =	vst v2;
	v2 =	vld [tilespmem:$0x260]  }
0x93: {  	[tilespmem:$0x420] =	vst v3;
	v3 =	vld [tilespmem:$0x270]  }
0x94: {  	[tilespmem:$0x430] =	vst v49  }
0x95: {  	[tilespmem:$0x440] =	vst v50  }
0x96: {  	[tilespmem:$0x450] =	vst v1  }
0x97: {  	[tilespmem:$0x460] =	vst v2  }
0x98: {  	[tilespmem:$0x470] =	vst v3  }
0x99: {  	[tilespmem:s24], [sflag:$0x1] =	stream.indirect.gather [hbm4b:s1+s31], $0x80, s0, s31, $0xb8;
	[tilespmem:$0x1BE40] =	vst v63  }
0x9a: {  	_ =	swait.ge [sflag:s13], $0x4000  }
0x9b: {  	[sflag:s13] =	ssyncset.done $0x0  }
0x9c: {  	[sflag:s13] =	ssyncadd.s32 $0xFFFFC000  }
0x9d: {  	v1 =	vld [tilespmem:$0x180]  }
0x9e: {  	v2 =	vld [tilespmem:$0x190]  }
0x9f: {  	v3 =	vld [tilespmem:$0x1A0]  }
0xa0: {  	v51 =	vld [tilespmem:$0x1B0]  }
0xa1: {  	v52 =	vld [tilespmem:$0x1C0]  }
0xa2: {  	[tilespmem:$0x500] =	vst v1;
	v1 =	vld [tilespmem:$0x1D0]  }
0xa3: {  	[tilespmem:$0x510] =	vst v2;
	v2 =	vld [tilespmem:$0x1E0]  }
0xa4: {  	[tilespmem:$0x520] =	vst v3;
	v3 =	vld [tilespmem:$0x1F0]  }
0xa5: {  	[tilespmem:$0x530] =	vst v51  }
0xa6: {  	[tilespmem:$0x540] =	vst v52  }
0xa7: {  	[tilespmem:$0x550] =	vst v1  }
0xa8: {  	[tilespmem:$0x560] =	vst v2  }
0xa9: {  	[tilespmem:$0x570] =	vst v3  }
0xaa: {  	[spmem:s2] =	stream.indirect.scatter.add.f32 [tilespmem:s7], [sflag:$0x7], $0x80, s9, s31, $0xb8;
	[tilespmem:$0x1BE40] =	vst v63  }
0xab: {  	_ =	swait.ge [sflag:s25], $0x4000  }
0xac: {  	[sflag:s25] =	ssyncset.done $0x0  }
0xad: {  	[sflag:s25] =	ssyncadd.s32 $0xFFFFC000  }
0xae: {  	[tilespmem:s26], [sflag:$0x4] =	stream.linear.gather [hbm4b:s22+s3], $0x100, $0x38;
	[tilespmem:$0x1BE40] =	vst v63  }
0xaf: {  	_ =	swait.ge [sflag:s14], $0x100  }
0xb0: {  	[sflag:s14] =	ssyncset.done $0x0  }
0xb1: {  	[sflag:s14] =	ssyncadd.s32 $0xFFFFFF00  }
0xb2: {  	v1 =	vld [tilespmem:$0x300]  }
0xb3: {  	v2 =	vld [tilespmem:$0x310]  }
0xb4: {  	v3 =	vld [tilespmem:$0x320]  }
0xb5: {  	v53 =	vld [tilespmem:$0x330]  }
0xb6: {  	v54 =	vld [tilespmem:$0x340]  }
0xb7: {  	[tilespmem:$0x480] =	vst v1;
	v1 =	vld [tilespmem:$0x350]  }
0xb8: {  	[tilespmem:$0x490] =	vst v2;
	v2 =	vld [tilespmem:$0x360]  }
0xb9: {  	[tilespmem:$0x4A0] =	vst v3;
	v3 =	vld [tilespmem:$0x370]  }
0xba: {  	[tilespmem:$0x4B0] =	vst v53  }
0xbb: {  	[tilespmem:$0x4C0] =	vst v54  }
0xbc: {  	[tilespmem:$0x4D0] =	vst v1  }
0xbd: {  	[tilespmem:$0x4E0] =	vst v2  }
0xbe: {  	[tilespmem:$0x4F0] =	vst v3  }
0xbf: {  	[tilespmem:s7], [sflag:$0x2] =	stream.indirect.gather [hbm4b:s1+s31], $0x80, s6, s31, $0xb8;
	[tilespmem:$0x1BE40] =	vst v63  }
0xc0: {  	_ =	swait.ge [sflag:s8], $0x4000  }
0xc1: {  	[sflag:s8] =	ssyncset.done $0x0  }
0xc2: {  	[sflag:s8] =	ssyncadd.s32 $0xFFFFC000  }
0xc3: {  	v1 =	vld [tilespmem:$0x280]  }
0xc4: {  	v2 =	vld [tilespmem:$0x290]  }
0xc5: {  	v3 =	vld [tilespmem:$0x2A0]  }
0xc6: {  	v55 =	vld [tilespmem:$0x2B0]  }
0xc7: {  	p1 =	slt.u32 s18, s15;
	v56 =	vld [tilespmem:$0x2C0]  }
0xc8: {  	v6 =	vld [tilespmem:$0x2D0];
	v1 =	vpsel !p1, $0x2710, v1  }
0xc9: {  	[tilespmem:$0x500] =	vst v1;
	v1 =	vpsel !p1, $0x2710, v2;
	v2 =	vld [tilespmem:$0x2E0]  }
0xca: {  	[tilespmem:$0x510] =	vst v1;
	v1 =	vpsel !p1, $0x2710, v3;
	v3 =	vld [tilespmem:$0x2F0]  }
0xcb: {  	[tilespmem:$0x520] =	vst v1;
	v1 =	vpsel !p1, $0x2710, v55  }
0xcc: {  	[tilespmem:$0x530] =	vst v1;
	v1 =	vpsel !p1, $0x2710, v56  }
0xcd: {  	[tilespmem:$0x540] =	vst v1;
	v1 =	vpsel !p1, $0x2710, v6  }
0xce: {  	[tilespmem:$0x550] =	vst v1;
	v1 =	vpsel !p1, $0x2710, v2  }
0xcf: {  	[tilespmem:$0x560] =	vst v1;
	v1 =	vpsel !p1, $0x2710, v3  }
0xd0: {  	[tilespmem:$0x570] =	vst v1  }
0xd1: {  	[spmem:s2] =	stream.indirect.scatter.add.f32 [tilespmem:s24], [sflag:$0x7], $0x80, s9, s31, $0xb8;
	[tilespmem:$0x1BE40] =	vst v63  }
0xd2: {  	_ =	swait.ge [sflag:s25], $0x4000  }
0xd3: {  	[sflag:s25] =	ssyncset.done $0x0  }
0xd4: {  	[sflag:s25] =	ssyncadd.s32 $0xFFFFC000  }
0xd5: {  	[tilespmem:s28], [sflag:$0x5] =	stream.linear.gather [hbm4b:s21+s3], $0x100, $0x38;
	[tilespmem:$0x1BE40] =	vst v63  }
0xd6: {  	_ =	swait.ge [sflag:s30], $0x100  }
0xd7: {  	[sflag:s30] =	ssyncset.done $0x0  }
0xd8: {  	[sflag:s30] =	ssyncadd.s32 $0xFFFFFF00  }
0xd9: {  	v1 =	vld [tilespmem:$0x0]  }
0xda: {  	v2 =	vld [tilespmem:$0x10]  }
0xdb: {  	v3 =	vld [tilespmem:$0x20]  }
0xdc: {  	v57 =	vld [tilespmem:$0x30]  }
0xdd: {  	v58 =	vld [tilespmem:$0x40]  }
0xde: {  	[tilespmem:$0x400] =	vst v1;
	v1 =	vld [tilespmem:$0x50]  }
0xdf: {  	[tilespmem:$0x410] =	vst v2;
	v2 =	vld [tilespmem:$0x60]  }
0xe0: {  	[tilespmem:$0x420] =	vst v3;
	v3 =	vld [tilespmem:$0x70]  }
0xe1: {  	[tilespmem:$0x430] =	vst v57  }
0xe2: {  	[tilespmem:$0x440] =	vst v58  }
0xe3: {  	[tilespmem:$0x450] =	vst v1  }
0xe4: {  	[tilespmem:$0x460] =	vst v2  }
0xe5: {  	[tilespmem:$0x470] =	vst v3  }
0xe6: {  	[tilespmem:s24], [sflag:$0x1] =	stream.indirect.gather [hbm4b:s1+s31], $0x80, s0, s31, $0xb8;
	[tilespmem:$0x1BE40] =	vst v63  }
0xe7: {  	_ =	swait.ge [sflag:s13], $0x4000  }
0xe8: {  	[sflag:s13] =	ssyncset.done $0x0  }
0xe9: {  	[sflag:s13] =	ssyncadd.s32 $0xFFFFC000  }
0xea: {  	v1 =	vld [tilespmem:$0x380]  }
0xeb: {  	v2 =	vld [tilespmem:$0x390]  }
0xec: {  	v3 =	vld [tilespmem:$0x3A0]  }
0xed: {  	v59 =	vld [tilespmem:$0x3B0]  }
0xee: {  	p6 =	slt.u32 s18, s16;
	v60 =	vld [tilespmem:$0x3C0]  }
0xef: {  	v61 =	vld [tilespmem:$0x3D0];
	v1 =	vpsel !p6, $0x2710, v1  }
0xf0: {  	[tilespmem:$0x500] =	vst v1;
	v1 =	vpsel !p6, $0x2710, v2;
	v2 =	vld [tilespmem:$0x3E0]  }
0xf1: {  	[tilespmem:$0x510] =	vst v1;
	v1 =	vpsel !p6, $0x2710, v3;
	v3 =	vld [tilespmem:$0x3F0]  }
0xf2: {  	[tilespmem:$0x520] =	vst v1;
	v1 =	vpsel !p6, $0x2710, v59  }
0xf3: {  	[tilespmem:$0x530] =	vst v1;
	v1 =	vpsel !p6, $0x2710, v60  }
0xf4: {  	[tilespmem:$0x540] =	vst v1;
	v1 =	vpsel !p6, $0x2710, v61  }
0xf5: {  	[tilespmem:$0x550] =	vst v1;
	v1 =	vpsel !p6, $0x2710, v2  }
0xf6: {  	[tilespmem:$0x560] =	vst v1;
	v1 =	vpsel !p6, $0x2710, v3  }
0xf7: {  	[tilespmem:$0x570] =	vst v1  }
0xf8: {  	[spmem:s2] =	stream.indirect.scatter.add.f32 [tilespmem:s7], [sflag:$0x7], $0x80, s9, s31, $0xb8;
	[tilespmem:$0x1BE40] =	vst v63  }
0xf9: {  	_ =	swait.ge [sflag:s25], $0x4000  }
0xfa: {  	[sflag:s25] =	ssyncset.done $0x0  }
0xfb: {  	[sflag:s25] =	ssyncadd.s32 $0xFFFFC000  }
0xfc: {  	[tilespmem:s29], [sflag:$0x6] =	stream.linear.gather [hbm4b:s20+s3], $0x100, $0x38;
	[tilespmem:$0x1BE40] =	vst v63  }
0xfd: {  	_ =	swait.ge [sflag:s4], $0x100  }
0xfe: {  	[sflag:s4] =	ssyncset.done $0x0  }
0xff: {  	[sflag:s4] =	ssyncadd.s32 $0xFFFFFF00  }
0x100: {  	v1 =	vld [tilespmem:$0x100]  }
0x101: {  	v2 =	vld [tilespmem:$0x110]  }
0x102: {  	v3 =	vld [tilespmem:$0x120]  }
0x103: {  	v62 =	vld [tilespmem:$0x130]  }
0x104: {  	v63 =	vld [tilespmem:$0x140]  }
0x105: {  	[tilespmem:$0x480] =	vst v1;
	v1 =	vld [tilespmem:$0x150]  }
0x106: {  	[tilespmem:$0x490] =	vst v2;
	v2 =	vld [tilespmem:$0x160]  }
0x107: {  	[tilespmem:$0x4A0] =	vst v3;
	v3 =	vld [tilespmem:$0x170]  }
0x108: {  	p1 =	sne.s32 s18, $0x4C;
	[tilespmem:$0x4B0] =	vst v62  }
.Ltmp1:
0x109: {  	[tilespmem:$0x4C0] =	vst v63;
	(pc) =	sbr.rel @p1 .LBB2_4-.Ltmp1, $4  }
0x10a: {  	[tilespmem:$0x4D0] =	vst v1  }
0x10b: {  	s23 =	sadd.s32 $0x80, s23;
	s22 =	sadd.s32 $0x80, s22;
	[tilespmem:$0x4E0] =	vst v2  }
0x10c: {  	s18 =	sadd.s32 $0x4, s18;
	s21 =	sadd.s32 $0x80, s21;
	s20 =	sadd.s32 $0x80, s20;
	[tilespmem:$0x4F0] =	vst v3  }
0x10d: {  	[tilespmem:s7], [sflag:$0x2] =	stream.indirect.gather [hbm4b:s1+s31], $0x80, s6, s31, $0xb8;
	[tilespmem:$0x1BE40] =	vst v63  }
0x10e: {  	_ =	swait.ge [sflag:s8], $0x4000  }
0x10f: {  	[sflag:s8] =	ssyncset.done $0x0  }
0x110: {  	[sflag:s8] =	ssyncadd.s32 $0xFFFFC000  }
0x111: {  	_ =	swait.ge [sflag:s13], $0x4000  }
0x112: {  	[sflag:s13] =	ssyncset.done $0x0  }
0x113: {  	[sflag:s13] =	ssyncadd.s32 $0xFFFFC000  }
0x114: {  	_ =	swait.ge [sflag:s12], $0x100  }
0x115: {  	[sflag:s12] =	ssyncset.done $0x0  }
0x116: {  	[sflag:s12] =	ssyncadd.s32 $0xFFFFFF00  }
0x117: {  	_ =	swait.ge [sflag:s14], $0x100  }
0x118: {  	[sflag:s14] =	ssyncset.done $0x0  }
0x119: {  	s18 =	stileid.u32;
	[sflag:s14] =	ssyncadd.s32 $0xFFFFFF00  }
0x11a: {  	s18 =	sshll.u32 s18, $0x6;
	[bflag:$0x0] =	sbarrier.arrive $0xFFFF  }
0x11b: {  	s20 =	sshrl.u32 s5, $0x3;
	s18 =	sor.u32 $0x1C07, s18;
	s21 =	rddreg [dreg:$0xc]  }
0x11c: {  	[hbm:s21], [sflag:s18] =	dma.local [spmem:s20], $0x2700  }
0x11d: {  	_ =	swait.ge [sflag:s25], $0x2700  }
0x11e: {  	[sflag:s25] =	ssyncset.done $0x0  }
0x11f: {  	s20 =	sshrl.u32 @!p0 s10, $0x3;
	s21 =	rddreg [dreg:$0xd];
	[sflag:s25] =	ssyncadd.s32 $0xFFFFD900  }
0x120: {  	[hbm:s21], [sflag:s18] =	dma.local @!p0 [spmem:s20], $0x100  }
0x121: {  	s18 =	simm.s32 @!p0 $0x7  }
0x122: {  	_ =	swait.ge @!p0 [sflag:s18], $0x100  }
0x123: {  	s17 =	sadd.s32 $0x1, s17;
	s23 =	rddreg [dreg:$0xe]  }
0x124: {  	p1 =	sne.s32 s17, s23  }
.Ltmp2:
0x125: {  	_ = 	snop;
	(pc) =	sbr.rel @p1 .LBB2_1-.Ltmp2, $3  }
0x126: {  	_ =	sdelay $0x1  }
0x127: {  	[sflag:s18] =	ssyncset.done @!p0 $0x0  }
0x128: {  	[sflag:s18] =	ssyncadd.s32 @!p0 $0xFFFFFF00  }
0x129: {  	_ =	sfence.sel $0x180000  }
0x12a: {  	[bflag:$0x0] =	sbarrier.arrive $0xFFFF  }
0x12b: {  	_ =	strace $0x90000047  }
0x12c: {  	s0 =	stileid.u32;
	[bflag:$0x2] =	sbarrier.arrive $0xFFFF  }
0x12d: {  	p0 =	sne.s32 s0, $0x0;
	s0 =	rddreg [dreg:$0x4]  }
0x12e: {  	s0 =	sadd.s32 @!p0 $0x100000, s0  }
0x12f: {  	[sflag:s0] =	ssyncadd.tile.s32 @!p0 $0x1;
	_ =	shalt  }
.Lfunc_end2:
_tile_overlayer_lowered:
.L_overlay_start_2:
0x130: {  	(tag) =	ssettag $0x2  }
0x131: {  	s0 =	rddreg [dreg:$0x0];
	s2 =	stileid.u32  }
0x132: {  	s1 =	rddreg [dreg:$0x1];
	p0 =	sne.s32 s2, $0x0  }
0x133: {  	s3 =	rddreg [dreg:$0x2];
	[bflag:$0x3] =	sbarrier.arrive $0xFFFF;
	s2 =	simm.s32 @!p0 $0x1C07  }
0x134: {  	[timem:s3], [sflag:s2] =	dma.local @!p0 [hbm:s0], s1  }
0x135: {  	s0 =	simm.s32 @!p0 $0x7  }
0x136: {  	_ =	swait.ge @!p0 [sflag:s0], s1  }
0x137: {  	s1 =	ssub.s32 @!p0 $0x0, s1;
	[sflag:s0] =	ssyncset.done @!p0 $0x0  }
0x138: {  	[sflag:s0] =	ssyncadd.s32 @!p0 s1  }
0x139: {  	[bflag:$0x3] =	sbarrier.arrive $0xFFFF  }
0x13a: {  	_ =	shalt  }

</sc_bundles>
